<compile_context>
chip_gen: v7x
topology: tpu7x:2x2x1
jax: 0.10.2.dev20260603
libtpu: 0.0.44.dev20260713+nightly
codegen_flags: <defaults>
</compile_context>

<pallas_src>
import functools

import jax
import jax.numpy as jnp
from jax import lax
from jax.experimental import pallas as pl
from jax.experimental.pallas import tpu as pltpu
from jax.experimental.pallas import tpu_sc as plsc

_N = 512
_K = 1024
_D = 256
_NCAND = 4
_B = _NCAND * _N
_NC = 2
_NS = 16
_NW = _NC * _NS
_BPW = _B // _NW


def _topk_kernel(in_ref, cb_ref, cand_ref):
    xt = jnp.concatenate([in_ref[0], in_ref[1]], axis=1)
    cb = cb_ref[...]
    cb1 = cb.astype(jnp.bfloat16)
    cb2 = (cb - cb1.astype(jnp.float32)).astype(jnp.bfloat16)
    xt1 = xt.astype(jnp.bfloat16)
    xt2 = (xt - xt1.astype(jnp.float32)).astype(jnp.bfloat16)
    cdims = (((1,), (0,)), ((), ()))
    xct = (lax.dot_general(cb1, xt1, dimension_numbers=cdims,
                           preferred_element_type=jnp.float32)
           + lax.dot_general(cb1, xt2, dimension_numbers=cdims,
                             preferred_element_type=jnp.float32)
           + lax.dot_general(cb2, xt1, dimension_numbers=cdims,
                             preferred_element_type=jnp.float32))
    cb2sq = cb * cb
    sq1 = cb2sq.astype(jnp.bfloat16)
    sq2 = (cb2sq - sq1.astype(jnp.float32)).astype(jnp.bfloat16)
    ones = jnp.ones((_D, 1), jnp.bfloat16)
    cnorm = (lax.dot_general(sq1, ones, dimension_numbers=cdims,
                             preferred_element_type=jnp.float32)
             + lax.dot_general(sq2, ones, dimension_numbers=cdims,
                               preferred_element_type=jnp.float32))
    st = cnorm - 2.0 * xct
    riota = lax.broadcasted_iota(jnp.int32, (_K, _N), 0)
    qs = lax.convert_element_type(st * jnp.float32(1 << 20), jnp.int32)
    packed = ((qs + jnp.int32(1 << 20)) << 10) | riota
    rows = []
    for _ in range(_NCAND):
        mp = jnp.min(packed, axis=0, keepdims=True)
        rows.append(jnp.bitwise_and(mp, jnp.int32(_K - 1)))
        packed = jnp.where(packed == mp, jnp.int32(0x7fffffff), packed)
    cand_ref[...] = jnp.concatenate(rows, axis=0)


def _sc_gather_body(cb_hbm, idx_hbm, out_hbm, idx_v, rows_v, sem):
    wid = lax.axis_index("s") * _NC + lax.axis_index("c")
    base = wid * _BPW
    pltpu.sync_copy(idx_hbm.at[pl.ds(base, _BPW)], idx_v)
    pltpu.async_copy(cb_hbm.at[idx_v], rows_v, sem).wait()
    pltpu.sync_copy(rows_v, out_hbm.at[pl.ds(base, _BPW)])


@functools.cache
def _sc_gather():
    mesh = plsc.VectorSubcoreMesh(
        core_axis_name="c", subcore_axis_name="s", num_cores=_NC,
        num_subcores=_NS)
    return pl.kernel(
        _sc_gather_body,
        out_type=jax.ShapeDtypeStruct((_B, _D), jnp.float32),
        mesh=mesh,
        scratch_types=[
            pltpu.VMEM((_BPW,), jnp.int32),
            pltpu.VMEM((_BPW, _D), jnp.float32),
            pltpu.SemaphoreType.DMA,
        ],
    )


def _refined_dist(xt, rowt):
    sq = (xt - rowt) * (xt - rowt)
    totals = []
    for c in range(2):
        r = sq[128 * c:128 * (c + 1), :].reshape(16, 8, _N)
        p = r[0]
        for k in range(1, 16):
            p = p + r[k]
        a = ((p[0:1] + p[4:5]) + (p[2:3] + p[6:7])) + (
            (p[1:2] + p[5:6]) + (p[3:4] + p[7:8]))
        totals.append(a)
    return (totals[0] + totals[1]) * jnp.float32(1.0 / _D)


def _refine_kernel(in_ref, rows_ref, cand_ref, loss_ref, q_ref, idx_ref):
    xt = jnp.concatenate([in_ref[0], in_ref[1]], axis=1)
    best_d = None
    best_i = None
    best_qt = None
    for c in range(_NCAND):
        rowt = jnp.transpose(rows_ref[c], (1, 0))
        i_c = cand_ref[c:c + 1, :]
        d = _refined_dist(xt, rowt)
        if best_d is None:
            best_d, best_i, best_qt = d, i_c, rowt
        else:
            lt = (d < best_d) | ((d == best_d) & (i_c < best_i))
            best_d = jnp.where(lt, d, best_d)
            best_i = jnp.where(lt, i_c, best_i)
            best_qt = jnp.where(lt, rowt, best_qt)
    diff = best_qt - xt
    m2 = jnp.sum(diff * diff) * jnp.float32(1.0 / (_N * _D))
    loss_ref[...] = (m2 + jnp.float32(0.25) * m2)[None, None]
    qst = xt + (best_qt - xt)
    q_ref[...] = jnp.stack([qst[:, :_N // 2], qst[:, _N // 2:]], axis=0)
    idx_ref[...] = best_i


@jax.jit
def kernel(inputs, codebook):
    flat = inputs.reshape(2, _D, 256)
    cand = pl.pallas_call(
        _topk_kernel,
        out_shape=jax.ShapeDtypeStruct((_NCAND, _N), jnp.int32),
    )(flat, codebook)
    rows = _sc_gather()(codebook, cand.reshape(_B))
    loss, q, idx = pl.pallas_call(
        _refine_kernel,
        out_shape=(
            jax.ShapeDtypeStruct((1, 1), jnp.float32),
            jax.ShapeDtypeStruct((2, _D, 256), jnp.float32),
            jax.ShapeDtypeStruct((1, _N), jnp.int32),
        ),
    )(flat, rows.reshape(_NCAND, _N, _D), cand)
    quantized = q.reshape(2, _D, 16, 16)
    return loss.reshape(()), quantized, idx.reshape(2, 256)

# --- scband reference (transcript-rebuilt; emitter-appended) ---
"""Pipeline reference for scband-vector-quantizer-32590211842701 (READ-ONLY COPY).

The authoritative reference and input builder live on the scoring server;
editing this copy changes nothing except your own understanding.
"""

import jax, jax.numpy as jnp
import numpy as np

CODE_BOOK_SIZE = 1024
EMBEDDING_DIM = 256
COMMITMENT_COST = 0.25


def setup_inputs(seed: int = 0) -> dict:
    key = jax.random.key(seed)
    k1, k2 = jax.random.split(key)
    inputs = jax.random.normal(k1, (2, 256, 16, 16), dtype=jnp.float32)
    codebook = jax.random.uniform(
        k2, (CODE_BOOK_SIZE, EMBEDDING_DIM),
        minval=-1.0 / CODE_BOOK_SIZE, maxval=1.0 / CODE_BOOK_SIZE,
        dtype=jnp.float32,
    )
    return {"inputs": inputs, "codebook": codebook}


def reference(inputs, codebook):
    # inputs: [B, C, H, W] -> [B, H, W, C]
    x = jnp.transpose(inputs, (0, 2, 3, 1))
    input_shape = x.shape
    flat_input = x.reshape(-1, 1, EMBEDDING_DIM)  # [N, 1, D]
    # broadcast pairwise squared distances, mean over feature dim (matches torch .pow(2).mean(2))
    distances = jnp.mean((flat_input - codebook[None, :, :]) ** 2, axis=2)  # [N, K]
    encoding_indices = jnp.argmin(distances, axis=1)[:, None]  # [N, 1]
    quantized = jnp.take(codebook, encoding_indices, axis=0).reshape(input_shape)
    e_latent_loss = jnp.mean((jax.lax.stop_gradient(quantized) - x) ** 2)
    q_latent_loss = jnp.mean((quantized - jax.lax.stop_gradient(x)) ** 2)
    loss = q_latent_loss + COMMITMENT_COST * e_latent_loss
    # training-mode straight-through (module default is training=True)
    quantized_st = x + jax.lax.stop_gradient(quantized - x)
    return (
        loss,
        jnp.transpose(quantized_st, (0, 3, 1, 2)),
        encoding_indices.reshape(input_shape[0], -1),
    )

if __name__ == "__main__":
    import jax
    _d = setup_inputs()
    print(jax.jit(kernel)(*tuple(_d.values())))

</pallas_src>

<mosaic_0001>
#map = affine_map<(d0, d1) -> (0, 0)>
#map1 = affine_map<(d0, d1) -> (0)>
module attributes {stable_mosaic.version = 14 : i64} {
  func.func @_sc_gather_body(%arg0: i32, %arg1: i32, %arg2: memref<1024x256xf32, #tpu.memory_space<hbm>>, %arg3: memref<2048xi32, #tpu.memory_space<hbm>>, %arg4: memref<2048x256xf32, #tpu.memory_space<hbm>>, %arg5: memref<64xi32, #tpu.memory_space<vmem>>, %arg6: memref<64x256xf32, #tpu.memory_space<vmem>>, %arg7: memref<!tpu.dma_semaphore, #tpu.memory_space<semaphore_mem>>) attributes {dimension_semantics = [#tpu.dimension_semantics<core_parallel>, #tpu.dimension_semantics<subcore_parallel>], iteration_bounds = array<i64: 2, 16>, scalar_prefetch = 0 : i64, scratch_operands = 3 : i64, tpu.core_type = #tpu.core_type<sc_vector_subcore>, window_params = [{transform_indices = #map}, {transform_indices = #map1}, {transform_indices = #map}]} {
    %mul3A = arith.constant 2 : i32
    %mul3A_0 = arith.muli %arg1, %mul3A : i32
    %add3A = arith.addi %mul3A_0, %arg0 : i32
    %mul3A_1 = arith.constant 64 : i32
    %mul3A_2 = arith.muli %add3A, %mul3A_1 : i32
    "tpu.region"() ({
      %run_scoped3A = tpu.sem_alloc : memref<!tpu.dma_semaphore, #tpu.memory_space<semaphore_mem>>
      %dma_start3A_7 = tpu.memref_slice %arg3[%mul3A_2] : memref<2048xi32, #tpu.memory_space<hbm>> -> memref<64xi32, #tpu.memory_space<hbm>>
      %dma_start3A_8 = tpu.memref_slice %arg3[%mul3A_2] : memref<2048xi32, #tpu.memory_space<hbm>> -> memref<64xi32, #tpu.memory_space<hbm>>
      tpu.enqueue_dma source(%dma_start3A_8 : memref<64xi32, #tpu.memory_space<hbm>>) target(%arg5 : memref<64xi32, #tpu.memory_space<vmem>>) target_semaphore(%run_scoped3A : memref<!tpu.dma_semaphore, #tpu.memory_space<semaphore_mem>>)
      %dma_wait3A_9 = tpu.memref_slice %arg3[%mul3A_2] : memref<2048xi32, #tpu.memory_space<hbm>> -> memref<64xi32, #tpu.memory_space<hbm>>
      %dma_wait3A_10 = tpu.memref_slice %arg3[%mul3A_2] : memref<2048xi32, #tpu.memory_space<hbm>> -> memref<64xi32, #tpu.memory_space<hbm>>
      tpu.wait_dma2 semaphore(%run_scoped3A : memref<!tpu.dma_semaphore, #tpu.memory_space<semaphore_mem>>) src(%dma_wait3A_10 : memref<64xi32, #tpu.memory_space<hbm>>) dst(%arg5 : memref<64xi32, #tpu.memory_space<vmem>>)
      tpu.yield
    }) : () -> ()
    %dma_start3A = arith.constant 0 : i32
    %dma_start3A_3 = arith.constant 0 : i32
    %dma_start3A_4 = tpu.memref_slice %arg2[%dma_start3A, %dma_start3A_3] : memref<1024x256xf32, #tpu.memory_space<hbm>> -> memref<1024x256xf32, #tpu.memory_space<hbm>>
    tpu.enqueue_indirect_dma source(%dma_start3A_4 : memref<1024x256xf32, #tpu.memory_space<hbm>>) target(%arg6 : memref<64x256xf32, #tpu.memory_space<vmem>>) offsets(%arg5 : memref<64xi32, #tpu.memory_space<vmem>>) semaphore(%arg7 : memref<!tpu.dma_semaphore, #tpu.memory_space<semaphore_mem>>)
    %dma_wait3A = arith.constant 0 : i32
    %dma_wait3A_5 = arith.constant 0 : i32
    %dma_wait3A_6 = tpu.memref_slice %arg2[%dma_wait3A, %dma_wait3A_5] : memref<1024x256xf32, #tpu.memory_space<hbm>> -> memref<1024x256xf32, #tpu.memory_space<hbm>>
    tpu.wait_indirect_dma semaphore(%arg7 : memref<!tpu.dma_semaphore, #tpu.memory_space<semaphore_mem>>) src(%dma_wait3A_6 : memref<1024x256xf32, #tpu.memory_space<hbm>>) dst(%arg6 : memref<64x256xf32, #tpu.memory_space<vmem>>)
    "tpu.region"() ({
      %run_scoped3A = tpu.sem_alloc : memref<!tpu.dma_semaphore, #tpu.memory_space<semaphore_mem>>
      %dma_start3A_7 = arith.constant 0 : i32
      %dma_start3A_8 = tpu.memref_slice %arg4[%mul3A_2, %dma_start3A_7] : memref<2048x256xf32, #tpu.memory_space<hbm>> -> memref<64x256xf32, #tpu.memory_space<hbm>>
      %dma_start3A_9 = arith.constant 0 : i32
      %dma_start3A_10 = tpu.memref_slice %arg4[%mul3A_2, %dma_start3A_9] : memref<2048x256xf32, #tpu.memory_space<hbm>> -> memref<64x256xf32, #tpu.memory_space<hbm>>
      tpu.enqueue_dma source(%arg6 : memref<64x256xf32, #tpu.memory_space<vmem>>) target(%dma_start3A_10 : memref<64x256xf32, #tpu.memory_space<hbm>>) target_semaphore(%run_scoped3A : memref<!tpu.dma_semaphore, #tpu.memory_space<semaphore_mem>>)
      %dma_wait3A_11 = arith.constant 0 : i32
      %dma_wait3A_12 = tpu.memref_slice %arg4[%mul3A_2, %dma_wait3A_11] : memref<2048x256xf32, #tpu.memory_space<hbm>> -> memref<64x256xf32, #tpu.memory_space<hbm>>
      %dma_wait3A_13 = arith.constant 0 : i32
      %dma_wait3A_14 = tpu.memref_slice %arg4[%mul3A_2, %dma_wait3A_13] : memref<2048x256xf32, #tpu.memory_space<hbm>> -> memref<64x256xf32, #tpu.memory_space<hbm>>
      tpu.wait_dma2 semaphore(%run_scoped3A : memref<!tpu.dma_semaphore, #tpu.memory_space<semaphore_mem>>) src(%arg6 : memref<64x256xf32, #tpu.memory_space<vmem>>) dst(%dma_wait3A_14 : memref<64x256xf32, #tpu.memory_space<hbm>>)
      tpu.yield
    }) : () -> ()
    return
  }
}

module attributes {stable_mosaic.version = 14 : i64} {
  func.func @_refine_kernel(%arg0: memref<2x256x256xf32, #tpu.memory_space<vmem>>, %arg1: memref<4x512x256xf32, #tpu.memory_space<vmem>>, %arg2: memref<4x512xi32, #tpu.memory_space<vmem>>, %arg3: memref<1x1xf32, #tpu.memory_space<vmem>>, %arg4: memref<2x256x256xf32, #tpu.memory_space<vmem>>, %arg5: memref<1x512xi32, #tpu.memory_space<vmem>>) attributes {dimension_semantics = [], scalar_prefetch = 0 : i64, scratch_operands = 0 : i64, tpu.core_type = #tpu.core_type<tc>} {
    %get3A = arith.constant 0 : index
    %get3A_0 = arith.constant 0 : index
    %get3A_1 = arith.constant 0 : index
    %get3A_2 = vector.load %arg0[%get3A, %get3A_0, %get3A_1] : memref<2x256x256xf32, #tpu.memory_space<vmem>>, vector<1x256x256xf32>
    %get3A_3 = vector.shape_cast %get3A_2 : vector<1x256x256xf32> to vector<256x256xf32>
    %get3A_4 = arith.constant 1 : index
    %get3A_5 = arith.constant 0 : index
    %get3A_6 = arith.constant 0 : index
    %get3A_7 = vector.load %arg0[%get3A_4, %get3A_5, %get3A_6] : memref<2x256x256xf32, #tpu.memory_space<vmem>>, vector<1x256x256xf32>
    %get3A_8 = vector.shape_cast %get3A_7 : vector<1x256x256xf32> to vector<256x256xf32>
    %concatenate3A = tpu.concatenate %get3A_3, %get3A_8 in 1 : vector<256x256xf32>, vector<256x256xf32> -> vector<256x512xf32>
    %get3A_9 = arith.constant 0 : index
    %get3A_10 = arith.constant 0 : index
    %get3A_11 = arith.constant 0 : index
    %get3A_12 = vector.load %arg1[%get3A_9, %get3A_10, %get3A_11] : memref<4x512x256xf32, #tpu.memory_space<vmem>>, vector<1x512x256xf32>
    %get3A_13 = vector.shape_cast %get3A_12 : vector<1x512x256xf32> to vector<512x256xf32>
    %transpose3A = tpu.transpose %get3A_13, [1, 0] : vector<512x256xf32> -> vector<256x512xf32>
    %get3A_14 = arith.constant 0 : index
    %get3A_15 = arith.constant 0 : index
    %get3A_16 = vector.load %arg2[%get3A_14, %get3A_15] : memref<4x512xi32, #tpu.memory_space<vmem>>, vector<1x512xi32>
    %sub3A = arith.subf %concatenate3A, %transpose3A : vector<256x512xf32>
    %sub3A_17 = arith.subf %concatenate3A, %transpose3A : vector<256x512xf32>
    %mul3A = arith.mulf %sub3A, %sub3A_17 : vector<256x512xf32>
    %slice3A = vector.extract_strided_slice %mul3A {offsets = [0, 0], sizes = [128, 512], strides = [1, 1]} : vector<256x512xf32> to vector<128x512xf32>
    %reshape3A = vector.shape_cast %slice3A : vector<128x512xf32> to vector<16x8x512xf32>
    %slice3A_18 = vector.extract_strided_slice %reshape3A {offsets = [0, 0, 0], sizes = [1, 8, 512], strides = [1, 1, 1]} : vector<16x8x512xf32> to vector<1x8x512xf32>
    %squeeze3A = vector.shape_cast %slice3A_18 : vector<1x8x512xf32> to vector<8x512xf32>
    %slice3A_19 = vector.extract_strided_slice %reshape3A {offsets = [1, 0, 0], sizes = [1, 8, 512], strides = [1, 1, 1]} : vector<16x8x512xf32> to vector<1x8x512xf32>
    %squeeze3A_20 = vector.shape_cast %slice3A_19 : vector<1x8x512xf32> to vector<8x512xf32>
    %add3A = arith.addf %squeeze3A, %squeeze3A_20 : vector<8x512xf32>
    %slice3A_21 = vector.extract_strided_slice %reshape3A {offsets = [2, 0, 0], sizes = [1, 8, 512], strides = [1, 1, 1]} : vector<16x8x512xf32> to vector<1x8x512xf32>
    %squeeze3A_22 = vector.shape_cast %slice3A_21 : vector<1x8x512xf32> to vector<8x512xf32>
    %add3A_23 = arith.addf %add3A, %squeeze3A_22 : vector<8x512xf32>
    %slice3A_24 = vector.extract_strided_slice %reshape3A {offsets = [3, 0, 0], sizes = [1, 8, 512], strides = [1, 1, 1]} : vector<16x8x512xf32> to vector<1x8x512xf32>
    %squeeze3A_25 = vector.shape_cast %slice3A_24 : vector<1x8x512xf32> to vector<8x512xf32>
    %add3A_26 = arith.addf %add3A_23, %squeeze3A_25 : vector<8x512xf32>
    %slice3A_27 = vector.extract_strided_slice %reshape3A {offsets = [4, 0, 0], sizes = [1, 8, 512], strides = [1, 1, 1]} : vector<16x8x512xf32> to vector<1x8x512xf32>
    %squeeze3A_28 = vector.shape_cast %slice3A_27 : vector<1x8x512xf32> to vector<8x512xf32>
    %add3A_29 = arith.addf %add3A_26, %squeeze3A_28 : vector<8x512xf32>
    %slice3A_30 = vector.extract_strided_slice %reshape3A {offsets = [5, 0, 0], sizes = [1, 8, 512], strides = [1, 1, 1]} : vector<16x8x512xf32> to vector<1x8x512xf32>
    %squeeze3A_31 = vector.shape_cast %slice3A_30 : vector<1x8x512xf32> to vector<8x512xf32>
    %add3A_32 = arith.addf %add3A_29, %squeeze3A_31 : vector<8x512xf32>
    %slice3A_33 = vector.extract_strided_slice %reshape3A {offsets = [6, 0, 0], sizes = [1, 8, 512], strides = [1, 1, 1]} : vector<16x8x512xf32> to vector<1x8x512xf32>
    %squeeze3A_34 = vector.shape_cast %slice3A_33 : vector<1x8x512xf32> to vector<8x512xf32>
    %add3A_35 = arith.addf %add3A_32, %squeeze3A_34 : vector<8x512xf32>
    %slice3A_36 = vector.extract_strided_slice %reshape3A {offsets = [7, 0, 0], sizes = [1, 8, 512], strides = [1, 1, 1]} : vector<16x8x512xf32> to vector<1x8x512xf32>
    %squeeze3A_37 = vector.shape_cast %slice3A_36 : vector<1x8x512xf32> to vector<8x512xf32>
    %add3A_38 = arith.addf %add3A_35, %squeeze3A_37 : vector<8x512xf32>
    %slice3A_39 = vector.extract_strided_slice %reshape3A {offsets = [8, 0, 0], sizes = [1, 8, 512], strides = [1, 1, 1]} : vector<16x8x512xf32> to vector<1x8x512xf32>
    %squeeze3A_40 = vector.shape_cast %slice3A_39 : vector<1x8x512xf32> to vector<8x512xf32>
    %add3A_41 = arith.addf %add3A_38, %squeeze3A_40 : vector<8x512xf32>
    %slice3A_42 = vector.extract_strided_slice %reshape3A {offsets = [9, 0, 0], sizes = [1, 8, 512], strides = [1, 1, 1]} : vector<16x8x512xf32> to vector<1x8x512xf32>
    %squeeze3A_43 = vector.shape_cast %slice3A_42 : vector<1x8x512xf32> to vector<8x512xf32>
    %add3A_44 = arith.addf %add3A_41, %squeeze3A_43 : vector<8x512xf32>
    %slice3A_45 = vector.extract_strided_slice %reshape3A {offsets = [10, 0, 0], sizes = [1, 8, 512], strides = [1, 1, 1]} : vector<16x8x512xf32> to vector<1x8x512xf32>
    %squeeze3A_46 = vector.shape_cast %slice3A_45 : vector<1x8x512xf32> to vector<8x512xf32>
    %add3A_47 = arith.addf %add3A_44, %squeeze3A_46 : vector<8x512xf32>
    %slice3A_48 = vector.extract_strided_slice %reshape3A {offsets = [11, 0, 0], sizes = [1, 8, 512], strides = [1, 1, 1]} : vector<16x8x512xf32> to vector<1x8x512xf32>
    %squeeze3A_49 = vector.shape_cast %slice3A_48 : vector<1x8x512xf32> to vector<8x512xf32>
    %add3A_50 = arith.addf %add3A_47, %squeeze3A_49 : vector<8x512xf32>
    %slice3A_51 = vector.extract_strided_slice %reshape3A {offsets = [12, 0, 0], sizes = [1, 8, 512], strides = [1, 1, 1]} : vector<16x8x512xf32> to vector<1x8x512xf32>
    %squeeze3A_52 = vector.shape_cast %slice3A_51 : vector<1x8x512xf32> to vector<8x512xf32>
    %add3A_53 = arith.addf %add3A_50, %squeeze3A_52 : vector<8x512xf32>
    %slice3A_54 = vector.extract_strided_slice %reshape3A {offsets = [13, 0, 0], sizes = [1, 8, 512], strides = [1, 1, 1]} : vector<16x8x512xf32> to vector<1x8x512xf32>
    %squeeze3A_55 = vector.shape_cast %slice3A_54 : vector<1x8x512xf32> to vector<8x512xf32>
    %add3A_56 = arith.addf %add3A_53, %squeeze3A_55 : vector<8x512xf32>
    %slice3A_57 = vector.extract_strided_slice %reshape3A {offsets = [14, 0, 0], sizes = [1, 8, 512], strides = [1, 1, 1]} : vector<16x8x512xf32> to vector<1x8x512xf32>
    %squeeze3A_58 = vector.shape_cast %slice3A_57 : vector<1x8x512xf32> to vector<8x512xf32>
    %add3A_59 = arith.addf %add3A_56, %squeeze3A_58 : vector<8x512xf32>
    %slice3A_60 = vector.extract_strided_slice %reshape3A {offsets = [15, 0, 0], sizes = [1, 8, 512], strides = [1, 1, 1]} : vector<16x8x512xf32> to vector<1x8x512xf32>
    %squeeze3A_61 = vector.shape_cast %slice3A_60 : vector<1x8x512xf32> to vector<8x512xf32>
    %add3A_62 = arith.addf %add3A_59, %squeeze3A_61 : vector<8x512xf32>
    %slice3A_63 = vector.extract_strided_slice %add3A_62 {offsets = [0, 0], sizes = [1, 512], strides = [1, 1]} : vector<8x512xf32> to vector<1x512xf32>
    %slice3A_64 = vector.extract_strided_slice %add3A_62 {offsets = [4, 0], sizes = [1, 512], strides = [1, 1]} : vector<8x512xf32> to vector<1x512xf32>
    %add3A_65 = arith.addf %slice3A_63, %slice3A_64 : vector<1x512xf32>
    %slice3A_66 = vector.extract_strided_slice %add3A_62 {offsets = [2, 0], sizes = [1, 512], strides = [1, 1]} : vector<8x512xf32> to vector<1x512xf32>
    %slice3A_67 = vector.extract_strided_slice %add3A_62 {offsets = [6, 0], sizes = [1, 512], strides = [1, 1]} : vector<8x512xf32> to vector<1x512xf32>
    %add3A_68 = arith.addf %slice3A_66, %slice3A_67 : vector<1x512xf32>
    %add3A_69 = arith.addf %add3A_65, %add3A_68 : vector<1x512xf32>
    %slice3A_70 = vector.extract_strided_slice %add3A_62 {offsets = [1, 0], sizes = [1, 512], strides = [1, 1]} : vector<8x512xf32> to vector<1x512xf32>
    %slice3A_71 = vector.extract_strided_slice %add3A_62 {offsets = [5, 0], sizes = [1, 512], strides = [1, 1]} : vector<8x512xf32> to vector<1x512xf32>
    %add3A_72 = arith.addf %slice3A_70, %slice3A_71 : vector<1x512xf32>
    %slice3A_73 = vector.extract_strided_slice %add3A_62 {offsets = [3, 0], sizes = [1, 512], strides = [1, 1]} : vector<8x512xf32> to vector<1x512xf32>
    %slice3A_74 = vector.extract_strided_slice %add3A_62 {offsets = [7, 0], sizes = [1, 512], strides = [1, 1]} : vector<8x512xf32> to vector<1x512xf32>
    %add3A_75 = arith.addf %slice3A_73, %slice3A_74 : vector<1x512xf32>
    %add3A_76 = arith.addf %add3A_72, %add3A_75 : vector<1x512xf32>
    %add3A_77 = arith.addf %add3A_69, %add3A_76 : vector<1x512xf32>
    %slice3A_78 = vector.extract_strided_slice %mul3A {offsets = [128, 0], sizes = [128, 512], strides = [1, 1]} : vector<256x512xf32> to vector<128x512xf32>
    %reshape3A_79 = vector.shape_cast %slice3A_78 : vector<128x512xf32> to vector<16x8x512xf32>
    %slice3A_80 = vector.extract_strided_slice %reshape3A_79 {offsets = [0, 0, 0], sizes = [1, 8, 512], strides = [1, 1, 1]} : vector<16x8x512xf32> to vector<1x8x512xf32>
    %squeeze3A_81 = vector.shape_cast %slice3A_80 : vector<1x8x512xf32> to vector<8x512xf32>
    %slice3A_82 = vector.extract_strided_slice %reshape3A_79 {offsets = [1, 0, 0], sizes = [1, 8, 512], strides = [1, 1, 1]} : vector<16x8x512xf32> to vector<1x8x512xf32>
    %squeeze3A_83 = vector.shape_cast %slice3A_82 : vector<1x8x512xf32> to vector<8x512xf32>
    %add3A_84 = arith.addf %squeeze3A_81, %squeeze3A_83 : vector<8x512xf32>
    %slice3A_85 = vector.extract_strided_slice %reshape3A_79 {offsets = [2, 0, 0], sizes = [1, 8, 512], strides = [1, 1, 1]} : vector<16x8x512xf32> to vector<1x8x512xf32>
    %squeeze3A_86 = vector.shape_cast %slice3A_85 : vector<1x8x512xf32> to vector<8x512xf32>
    %add3A_87 = arith.addf %add3A_84, %squeeze3A_86 : vector<8x512xf32>
    %slice3A_88 = vector.extract_strided_slice %reshape3A_79 {offsets = [3, 0, 0], sizes = [1, 8, 512], strides = [1, 1, 1]} : vector<16x8x512xf32> to vector<1x8x512xf32>
    %squeeze3A_89 = vector.shape_cast %slice3A_88 : vector<1x8x512xf32> to vector<8x512xf32>
    %add3A_90 = arith.addf %add3A_87, %squeeze3A_89 : vector<8x512xf32>
    %slice3A_91 = vector.extract_strided_slice %reshape3A_79 {offsets = [4, 0, 0], sizes = [1, 8, 512], strides = [1, 1, 1]} : vector<16x8x512xf32> to vector<1x8x512xf32>
    %squeeze3A_92 = vector.shape_cast %slice3A_91 : vector<1x8x512xf32> to vector<8x512xf32>
    %add3A_93 = arith.addf %add3A_90, %squeeze3A_92 : vector<8x512xf32>
    %slice3A_94 = vector.extract_strided_slice %reshape3A_79 {offsets = [5, 0, 0], sizes = [1, 8, 512], strides = [1, 1, 1]} : vector<16x8x512xf32> to vector<1x8x512xf32>
    %squeeze3A_95 = vector.shape_cast %slice3A_94 : vector<1x8x512xf32> to vector<8x512xf32>
    %add3A_96 = arith.addf %add3A_93, %squeeze3A_95 : vector<8x512xf32>
    %slice3A_97 = vector.extract_strided_slice %reshape3A_79 {offsets = [6, 0, 0], sizes = [1, 8, 512], strides = [1, 1, 1]} : vector<16x8x512xf32> to vector<1x8x512xf32>
    %squeeze3A_98 = vector.shape_cast %slice3A_97 : vector<1x8x512xf32> to vector<8x512xf32>
    %add3A_99 = arith.addf %add3A_96, %squeeze3A_98 : vector<8x512xf32>
    %slice3A_100 = vector.extract_strided_slice %reshape3A_79 {offsets = [7, 0, 0], sizes = [1, 8, 512], strides = [1, 1, 1]} : vector<16x8x512xf32> to vector<1x8x512xf32>
    %squeeze3A_101 = vector.shape_cast %slice3A_100 : vector<1x8x512xf32> to vector<8x512xf32>
    %add3A_102 = arith.addf %add3A_99, %squeeze3A_101 : vector<8x512xf32>
    %slice3A_103 = vector.extract_strided_slice %reshape3A_79 {offsets = [8, 0, 0], sizes = [1, 8, 512], strides = [1, 1, 1]} : vector<16x8x512xf32> to vector<1x8x512xf32>
    %squeeze3A_104 = vector.shape_cast %slice3A_103 : vector<1x8x512xf32> to vector<8x512xf32>
    %add3A_105 = arith.addf %add3A_102, %squeeze3A_104 : vector<8x512xf32>
    %slice3A_106 = vector.extract_strided_slice %reshape3A_79 {offsets = [9, 0, 0], sizes = [1, 8, 512], strides = [1, 1, 1]} : vector<16x8x512xf32> to vector<1x8x512xf32>
    %squeeze3A_107 = vector.shape_cast %slice3A_106 : vector<1x8x512xf32> to vector<8x512xf32>
    %add3A_108 = arith.addf %add3A_105, %squeeze3A_107 : vector<8x512xf32>
    %slice3A_109 = vector.extract_strided_slice %reshape3A_79 {offsets = [10, 0, 0], sizes = [1, 8, 512], strides = [1, 1, 1]} : vector<16x8x512xf32> to vector<1x8x512xf32>
    %squeeze3A_110 = vector.shape_cast %slice3A_109 : vector<1x8x512xf32> to vector<8x512xf32>
    %add3A_111 = arith.addf %add3A_108, %squeeze3A_110 : vector<8x512xf32>
    %slice3A_112 = vector.extract_strided_slice %reshape3A_79 {offsets = [11, 0, 0], sizes = [1, 8, 512], strides = [1, 1, 1]} : vector<16x8x512xf32> to vector<1x8x512xf32>
    %squeeze3A_113 = vector.shape_cast %slice3A_112 : vector<1x8x512xf32> to vector<8x512xf32>
    %add3A_114 = arith.addf %add3A_111, %squeeze3A_113 : vector<8x512xf32>
    %slice3A_115 = vector.extract_strided_slice %reshape3A_79 {offsets = [12, 0, 0], sizes = [1, 8, 512], strides = [1, 1, 1]} : vector<16x8x512xf32> to vector<1x8x512xf32>
    %squeeze3A_116 = vector.shape_cast %slice3A_115 : vector<1x8x512xf32> to vector<8x512xf32>
    %add3A_117 = arith.addf %add3A_114, %squeeze3A_116 : vector<8x512xf32>
    %slice3A_118 = vector.extract_strided_slice %reshape3A_79 {offsets = [13, 0, 0], sizes = [1, 8, 512], strides = [1, 1, 1]} : vector<16x8x512xf32> to vector<1x8x512xf32>
    %squeeze3A_119 = vector.shape_cast %slice3A_118 : vector<1x8x512xf32> to vector<8x512xf32>
    %add3A_120 = arith.addf %add3A_117, %squeeze3A_119 : vector<8x512xf32>
    %slice3A_121 = vector.extract_strided_slice %reshape3A_79 {offsets = [14, 0, 0], sizes = [1, 8, 512], strides = [1, 1, 1]} : vector<16x8x512xf32> to vector<1x8x512xf32>
    %squeeze3A_122 = vector.shape_cast %slice3A_121 : vector<1x8x512xf32> to vector<8x512xf32>
    %add3A_123 = arith.addf %add3A_120, %squeeze3A_122 : vector<8x512xf32>
    %slice3A_124 = vector.extract_strided_slice %reshape3A_79 {offsets = [15, 0, 0], sizes = [1, 8, 512], strides = [1, 1, 1]} : vector<16x8x512xf32> to vector<1x8x512xf32>
    %squeeze3A_125 = vector.shape_cast %slice3A_124 : vector<1x8x512xf32> to vector<8x512xf32>
    %add3A_126 = arith.addf %add3A_123, %squeeze3A_125 : vector<8x512xf32>
    %slice3A_127 = vector.extract_strided_slice %add3A_126 {offsets = [0, 0], sizes = [1, 512], strides = [1, 1]} : vector<8x512xf32> to vector<1x512xf32>
    %slice3A_128 = vector.extract_strided_slice %add3A_126 {offsets = [4, 0], sizes = [1, 512], strides = [1, 1]} : vector<8x512xf32> to vector<1x512xf32>
    %add3A_129 = arith.addf %slice3A_127, %slice3A_128 : vector<1x512xf32>
    %slice3A_130 = vector.extract_strided_slice %add3A_126 {offsets = [2, 0], sizes = [1, 512], strides = [1, 1]} : vector<8x512xf32> to vector<1x512xf32>
    %slice3A_131 = vector.extract_strided_slice %add3A_126 {offsets = [6, 0], sizes = [1, 512], strides = [1, 1]} : vector<8x512xf32> to vector<1x512xf32>
    %add3A_132 = arith.addf %slice3A_130, %slice3A_131 : vector<1x512xf32>
    %add3A_133 = arith.addf %add3A_129, %add3A_132 : vector<1x512xf32>
    %slice3A_134 = vector.extract_strided_slice %add3A_126 {offsets = [1, 0], sizes = [1, 512], strides = [1, 1]} : vector<8x512xf32> to vector<1x512xf32>
    %slice3A_135 = vector.extract_strided_slice %add3A_126 {offsets = [5, 0], sizes = [1, 512], strides = [1, 1]} : vector<8x512xf32> to vector<1x512xf32>
    %add3A_136 = arith.addf %slice3A_134, %slice3A_135 : vector<1x512xf32>
    %slice3A_137 = vector.extract_strided_slice %add3A_126 {offsets = [3, 0], sizes = [1, 512], strides = [1, 1]} : vector<8x512xf32> to vector<1x512xf32>
    %slice3A_138 = vector.extract_strided_slice %add3A_126 {offsets = [7, 0], sizes = [1, 512], strides = [1, 1]} : vector<8x512xf32> to vector<1x512xf32>
    %add3A_139 = arith.addf %slice3A_137, %slice3A_138 : vector<1x512xf32>
    %add3A_140 = arith.addf %add3A_136, %add3A_139 : vector<1x512xf32>
    %add3A_141 = arith.addf %add3A_133, %add3A_140 : vector<1x512xf32>
    %add3A_142 = arith.addf %add3A_77, %add3A_141 : vector<1x512xf32>
    %mul3A_143 = arith.constant 3.906250e-03 : f32
    %mul3A_144 = vector.broadcast %mul3A_143 : f32 to vector<1x512xf32>
    %mul3A_145 = arith.mulf %add3A_142, %mul3A_144 : vector<1x512xf32>
    %get3A_146 = arith.constant 1 : index
    %get3A_147 = arith.constant 0 : index
    %get3A_148 = arith.constant 0 : index
    %get3A_149 = vector.load %arg1[%get3A_146, %get3A_147, %get3A_148] : memref<4x512x256xf32, #tpu.memory_space<vmem>>, vector<1x512x256xf32>
    %get3A_150 = vector.shape_cast %get3A_149 : vector<1x512x256xf32> to vector<512x256xf32>
    %transpose3A_151 = tpu.transpose %get3A_150, [1, 0] : vector<512x256xf32> -> vector<256x512xf32>
    %get3A_152 = arith.constant 1 : index
    %get3A_153 = arith.constant 0 : index
    %get3A_154 = vector.load %arg2[%get3A_152, %get3A_153] : memref<4x512xi32, #tpu.memory_space<vmem>>, vector<1x512xi32>
    %sub3A_155 = arith.subf %concatenate3A, %transpose3A_151 : vector<256x512xf32>
    %sub3A_156 = arith.subf %concatenate3A, %transpose3A_151 : vector<256x512xf32>
    %mul3A_157 = arith.mulf %sub3A_155, %sub3A_156 : vector<256x512xf32>
    %slice3A_158 = vector.extract_strided_slice %mul3A_157 {offsets = [0, 0], sizes = [128, 512], strides = [1, 1]} : vector<256x512xf32> to vector<128x512xf32>
    %reshape3A_159 = vector.shape_cast %slice3A_158 : vector<128x512xf32> to vector<16x8x512xf32>
    %slice3A_160 = vector.extract_strided_slice %reshape3A_159 {offsets = [0, 0, 0], sizes = [1, 8, 512], strides = [1, 1, 1]} : vector<16x8x512xf32> to vector<1x8x512xf32>
    %squeeze3A_161 = vector.shape_cast %slice3A_160 : vector<1x8x512xf32> to vector<8x512xf32>
    %slice3A_162 = vector.extract_strided_slice %reshape3A_159 {offsets = [1, 0, 0], sizes = [1, 8, 512], strides = [1, 1, 1]} : vector<16x8x512xf32> to vector<1x8x512xf32>
    %squeeze3A_163 = vector.shape_cast %slice3A_162 : vector<1x8x512xf32> to vector<8x512xf32>
    %add3A_164 = arith.addf %squeeze3A_161, %squeeze3A_163 : vector<8x512xf32>
    %slice3A_165 = vector.extract_strided_slice %reshape3A_159 {offsets = [2, 0, 0], sizes = [1, 8, 512], strides = [1, 1, 1]} : vector<16x8x512xf32> to vector<1x8x512xf32>
    %squeeze3A_166 = vector.shape_cast %slice3A_165 : vector<1x8x512xf32> to vector<8x512xf32>
    %add3A_167 = arith.addf %add3A_164, %squeeze3A_166 : vector<8x512xf32>
    %slice3A_168 = vector.extract_strided_slice %reshape3A_159 {offsets = [3, 0, 0], sizes = [1, 8, 512], strides = [1, 1, 1]} : vector<16x8x512xf32> to vector<1x8x512xf32>
    %squeeze3A_169 = vector.shape_cast %slice3A_168 : vector<1x8x512xf32> to vector<8x512xf32>
    %add3A_170 = arith.addf %add3A_167, %squeeze3A_169 : vector<8x512xf32>
    %slice3A_171 = vector.extract_strided_slice %reshape3A_159 {offsets = [4, 0, 0], sizes = [1, 8, 512], strides = [1, 1, 1]} : vector<16x8x512xf32> to vector<1x8x512xf32>
    %squeeze3A_172 = vector.shape_cast %slice3A_171 : vector<1x8x512xf32> to vector<8x512xf32>
    %add3A_173 = arith.addf %add3A_170, %squeeze3A_172 : vector<8x512xf32>
    %slice3A_174 = vector.extract_strided_slice %reshape3A_159 {offsets = [5, 0, 0], sizes = [1, 8, 512], strides = [1, 1, 1]} : vector<16x8x512xf32> to vector<1x8x512xf32>
    %squeeze3A_175 = vector.shape_cast %slice3A_174 : vector<1x8x512xf32> to vector<8x512xf32>
    %add3A_176 = arith.addf %add3A_173, %squeeze3A_175 : vector<8x512xf32>
    %slice3A_177 = vector.extract_strided_slice %reshape3A_159 {offsets = [6, 0, 0], sizes = [1, 8, 512], strides = [1, 1, 1]} : vector<16x8x512xf32> to vector<1x8x512xf32>
    %squeeze3A_178 = vector.shape_cast %slice3A_177 : vector<1x8x512xf32> to vector<8x512xf32>
    %add3A_179 = arith.addf %add3A_176, %squeeze3A_178 : vector<8x512xf32>
    %slice3A_180 = vector.extract_strided_slice %reshape3A_159 {offsets = [7, 0, 0], sizes = [1, 8, 512], strides = [1, 1, 1]} : vector<16x8x512xf32> to vector<1x8x512xf32>
    %squeeze3A_181 = vector.shape_cast %slice3A_180 : vector<1x8x512xf32> to vector<8x512xf32>
    %add3A_182 = arith.addf %add3A_179, %squeeze3A_181 : vector<8x512xf32>
    %slice3A_183 = vector.extract_strided_slice %reshape3A_159 {offsets = [8, 0, 0], sizes = [1, 8, 512], strides = [1, 1, 1]} : vector<16x8x512xf32> to vector<1x8x512xf32>
    %squeeze3A_184 = vector.shape_cast %slice3A_183 : vector<1x8x512xf32> to vector<8x512xf32>
    %add3A_185 = arith.addf %add3A_182, %squeeze3A_184 : vector<8x512xf32>
    %slice3A_186 = vector.extract_strided_slice %reshape3A_159 {offsets = [9, 0, 0], sizes = [1, 8, 512], strides = [1, 1, 1]} : vector<16x8x512xf32> to vector<1x8x512xf32>
    %squeeze3A_187 = vector.shape_cast %slice3A_186 : vector<1x8x512xf32> to vector<8x512xf32>
    %add3A_188 = arith.addf %add3A_185, %squeeze3A_187 : vector<8x512xf32>
    %slice3A_189 = vector.extract_strided_slice %reshape3A_159 {offsets = [10, 0, 0], sizes = [1, 8, 512], strides = [1, 1, 1]} : vector<16x8x512xf32> to vector<1x8x512xf32>
    %squeeze3A_190 = vector.shape_cast %slice3A_189 : vector<1x8x512xf32> to vector<8x512xf32>
    %add3A_191 = arith.addf %add3A_188, %squeeze3A_190 : vector<8x512xf32>
    %slice3A_192 = vector.extract_strided_slice %reshape3A_159 {offsets = [11, 0, 0], sizes = [1, 8, 512], strides = [1, 1, 1]} : vector<16x8x512xf32> to vector<1x8x512xf32>
    %squeeze3A_193 = vector.shape_cast %slice3A_192 : vector<1x8x512xf32> to vector<8x512xf32>
    %add3A_194 = arith.addf %add3A_191, %squeeze3A_193 : vector<8x512xf32>
    %slice3A_195 = vector.extract_strided_slice %reshape3A_159 {offsets = [12, 0, 0], sizes = [1, 8, 512], strides = [1, 1, 1]} : vector<16x8x512xf32> to vector<1x8x512xf32>
    %squeeze3A_196 = vector.shape_cast %slice3A_195 : vector<1x8x512xf32> to vector<8x512xf32>
    %add3A_197 = arith.addf %add3A_194, %squeeze3A_196 : vector<8x512xf32>
    %slice3A_198 = vector.extract_strided_slice %reshape3A_159 {offsets = [13, 0, 0], sizes = [1, 8, 512], strides = [1, 1, 1]} : vector<16x8x512xf32> to vector<1x8x512xf32>
    %squeeze3A_199 = vector.shape_cast %slice3A_198 : vector<1x8x512xf32> to vector<8x512xf32>
    %add3A_200 = arith.addf %add3A_197, %squeeze3A_199 : vector<8x512xf32>
    %slice3A_201 = vector.extract_strided_slice %reshape3A_159 {offsets = [14, 0, 0], sizes = [1, 8, 512], strides = [1, 1, 1]} : vector<16x8x512xf32> to vector<1x8x512xf32>
    %squeeze3A_202 = vector.shape_cast %slice3A_201 : vector<1x8x512xf32> to vector<8x512xf32>
    %add3A_203 = arith.addf %add3A_200, %squeeze3A_202 : vector<8x512xf32>
    %slice3A_204 = vector.extract_strided_slice %reshape3A_159 {offsets = [15, 0, 0], sizes = [1, 8, 512], strides = [1, 1, 1]} : vector<16x8x512xf32> to vector<1x8x512xf32>
    %squeeze3A_205 = vector.shape_cast %slice3A_204 : vector<1x8x512xf32> to vector<8x512xf32>
    %add3A_206 = arith.addf %add3A_203, %squeeze3A_205 : vector<8x512xf32>
    %slice3A_207 = vector.extract_strided_slice %add3A_206 {offsets = [0, 0], sizes = [1, 512], strides = [1, 1]} : vector<8x512xf32> to vector<1x512xf32>
    %slice3A_208 = vector.extract_strided_slice %add3A_206 {offsets = [4, 0], sizes = [1, 512], strides = [1, 1]} : vector<8x512xf32> to vector<1x512xf32>
    %add3A_209 = arith.addf %slice3A_207, %slice3A_208 : vector<1x512xf32>
    %slice3A_210 = vector.extract_strided_slice %add3A_206 {offsets = [2, 0], sizes = [1, 512], strides = [1, 1]} : vector<8x512xf32> to vector<1x512xf32>
    %slice3A_211 = vector.extract_strided_slice %add3A_206 {offsets = [6, 0], sizes = [1, 512], strides = [1, 1]} : vector<8x512xf32> to vector<1x512xf32>
    %add3A_212 = arith.addf %slice3A_210, %slice3A_211 : vector<1x512xf32>
    %add3A_213 = arith.addf %add3A_209, %add3A_212 : vector<1x512xf32>
    %slice3A_214 = vector.extract_strided_slice %add3A_206 {offsets = [1, 0], sizes = [1, 512], strides = [1, 1]} : vector<8x512xf32> to vector<1x512xf32>
    %slice3A_215 = vector.extract_strided_slice %add3A_206 {offsets = [5, 0], sizes = [1, 512], strides = [1, 1]} : vector<8x512xf32> to vector<1x512xf32>
    %add3A_216 = arith.addf %slice3A_214, %slice3A_215 : vector<1x512xf32>
    %slice3A_217 = vector.extract_strided_slice %add3A_206 {offsets = [3, 0], sizes = [1, 512], strides = [1, 1]} : vector<8x512xf32> to vector<1x512xf32>
    %slice3A_218 = vector.extract_strided_slice %add3A_206 {offsets = [7, 0], sizes = [1, 512], strides = [1, 1]} : vector<8x512xf32> to vector<1x512xf32>
    %add3A_219 = arith.addf %slice3A_217, %slice3A_218 : vector<1x512xf32>
    %add3A_220 = arith.addf %add3A_216, %add3A_219 : vector<1x512xf32>
    %add3A_221 = arith.addf %add3A_213, %add3A_220 : vector<1x512xf32>
    %slice3A_222 = vector.extract_strided_slice %mul3A_157 {offsets = [128, 0], sizes = [128, 512], strides = [1, 1]} : vector<256x512xf32> to vector<128x512xf32>
    %reshape3A_223 = vector.shape_cast %slice3A_222 : vector<128x512xf32> to vector<16x8x512xf32>
    %slice3A_224 = vector.extract_strided_slice %reshape3A_223 {offsets = [0, 0, 0], sizes = [1, 8, 512], strides = [1, 1, 1]} : vector<16x8x512xf32> to vector<1x8x512xf32>
    %squeeze3A_225 = vector.shape_cast %slice3A_224 : vector<1x8x512xf32> to vector<8x512xf32>
    %slice3A_226 = vector.extract_strided_slice %reshape3A_223 {offsets = [1, 0, 0], sizes = [1, 8, 512], strides = [1, 1, 1]} : vector<16x8x512xf32> to vector<1x8x512xf32>
    %squeeze3A_227 = vector.shape_cast %slice3A_226 : vector<1x8x512xf32> to vector<8x512xf32>
    %add3A_228 = arith.addf %squeeze3A_225, %squeeze3A_227 : vector<8x512xf32>
    %slice3A_229 = vector.extract_strided_slice %reshape3A_223 {offsets = [2, 0, 0], sizes = [1, 8, 512], strides = [1, 1, 1]} : vector<16x8x512xf32> to vector<1x8x512xf32>
    %squeeze3A_230 = vector.shape_cast %slice3A_229 : vector<1x8x512xf32> to vector<8x512xf32>
    %add3A_231 = arith.addf %add3A_228, %squeeze3A_230 : vector<8x512xf32>
    %slice3A_232 = vector.extract_strided_slice %reshape3A_223 {offsets = [3, 0, 0], sizes = [1, 8, 512], strides = [1, 1, 1]} : vector<16x8x512xf32> to vector<1x8x512xf32>
    %squeeze3A_233 = vector.shape_cast %slice3A_232 : vector<1x8x512xf32> to vector<8x512xf32>
    %add3A_234 = arith.addf %add3A_231, %squeeze3A_233 : vector<8x512xf32>
    %slice3A_235 = vector.extract_strided_slice %reshape3A_223 {offsets = [4, 0, 0], sizes = [1, 8, 512], strides = [1, 1, 1]} : vector<16x8x512xf32> to vector<1x8x512xf32>
    %squeeze3A_236 = vector.shape_cast %slice3A_235 : vector<1x8x512xf32> to vector<8x512xf32>
    %add3A_237 = arith.addf %add3A_234, %squeeze3A_236 : vector<8x512xf32>
    %slice3A_238 = vector.extract_strided_slice %reshape3A_223 {offsets = [5, 0, 0], sizes = [1, 8, 512], strides = [1, 1, 1]} : vector<16x8x512xf32> to vector<1x8x512xf32>
    %squeeze3A_239 = vector.shape_cast %slice3A_238 : vector<1x8x512xf32> to vector<8x512xf32>
    %add3A_240 = arith.addf %add3A_237, %squeeze3A_239 : vector<8x512xf32>
    %slice3A_241 = vector.extract_strided_slice %reshape3A_223 {offsets = [6, 0, 0], sizes = [1, 8, 512], strides = [1, 1, 1]} : vector<16x8x512xf32> to vector<1x8x512xf32>
    %squeeze3A_242 = vector.shape_cast %slice3A_241 : vector<1x8x512xf32> to vector<8x512xf32>
    %add3A_243 = arith.addf %add3A_240, %squeeze3A_242 : vector<8x512xf32>
    %slice3A_244 = vector.extract_strided_slice %reshape3A_223 {offsets = [7, 0, 0], sizes = [1, 8, 512], strides = [1, 1, 1]} : vector<16x8x512xf32> to vector<1x8x512xf32>
    %squeeze3A_245 = vector.shape_cast %slice3A_244 : vector<1x8x512xf32> to vector<8x512xf32>
    %add3A_246 = arith.addf %add3A_243, %squeeze3A_245 : vector<8x512xf32>
    %slice3A_247 = vector.extract_strided_slice %reshape3A_223 {offsets = [8, 0, 0], sizes = [1, 8, 512], strides = [1, 1, 1]} : vector<16x8x512xf32> to vector<1x8x512xf32>
    %squeeze3A_248 = vector.shape_cast %slice3A_247 : vector<1x8x512xf32> to vector<8x512xf32>
    %add3A_249 = arith.addf %add3A_246, %squeeze3A_248 : vector<8x512xf32>
    %slice3A_250 = vector.extract_strided_slice %reshape3A_223 {offsets = [9, 0, 0], sizes = [1, 8, 512], strides = [1, 1, 1]} : vector<16x8x512xf32> to vector<1x8x512xf32>
    %squeeze3A_251 = vector.shape_cast %slice3A_250 : vector<1x8x512xf32> to vector<8x512xf32>
    %add3A_252 = arith.addf %add3A_249, %squeeze3A_251 : vector<8x512xf32>
    %slice3A_253 = vector.extract_strided_slice %reshape3A_223 {offsets = [10, 0, 0], sizes = [1, 8, 512], strides = [1, 1, 1]} : vector<16x8x512xf32> to vector<1x8x512xf32>
    %squeeze3A_254 = vector.shape_cast %slice3A_253 : vector<1x8x512xf32> to vector<8x512xf32>
    %add3A_255 = arith.addf %add3A_252, %squeeze3A_254 : vector<8x512xf32>
    %slice3A_256 = vector.extract_strided_slice %reshape3A_223 {offsets = [11, 0, 0], sizes = [1, 8, 512], strides = [1, 1, 1]} : vector<16x8x512xf32> to vector<1x8x512xf32>
    %squeeze3A_257 = vector.shape_cast %slice3A_256 : vector<1x8x512xf32> to vector<8x512xf32>
    %add3A_258 = arith.addf %add3A_255, %squeeze3A_257 : vector<8x512xf32>
    %slice3A_259 = vector.extract_strided_slice %reshape3A_223 {offsets = [12, 0, 0], sizes = [1, 8, 512], strides = [1, 1, 1]} : vector<16x8x512xf32> to vector<1x8x512xf32>
    %squeeze3A_260 = vector.shape_cast %slice3A_259 : vector<1x8x512xf32> to vector<8x512xf32>
    %add3A_261 = arith.addf %add3A_258, %squeeze3A_260 : vector<8x512xf32>
    %slice3A_262 = vector.extract_strided_slice %reshape3A_223 {offsets = [13, 0, 0], sizes = [1, 8, 512], strides = [1, 1, 1]} : vector<16x8x512xf32> to vector<1x8x512xf32>
    %squeeze3A_263 = vector.shape_cast %slice3A_262 : vector<1x8x512xf32> to vector<8x512xf32>
    %add3A_264 = arith.addf %add3A_261, %squeeze3A_263 : vector<8x512xf32>
    %slice3A_265 = vector.extract_strided_slice %reshape3A_223 {offsets = [14, 0, 0], sizes = [1, 8, 512], strides = [1, 1, 1]} : vector<16x8x512xf32> to vector<1x8x512xf32>
    %squeeze3A_266 = vector.shape_cast %slice3A_265 : vector<1x8x512xf32> to vector<8x512xf32>
    %add3A_267 = arith.addf %add3A_264, %squeeze3A_266 : vector<8x512xf32>
    %slice3A_268 = vector.extract_strided_slice %reshape3A_223 {offsets = [15, 0, 0], sizes = [1, 8, 512], strides = [1, 1, 1]} : vector<16x8x512xf32> to vector<1x8x512xf32>
    %squeeze3A_269 = vector.shape_cast %slice3A_268 : vector<1x8x512xf32> to vector<8x512xf32>
    %add3A_270 = arith.addf %add3A_267, %squeeze3A_269 : vector<8x512xf32>
    %slice3A_271 = vector.extract_strided_slice %add3A_270 {offsets = [0, 0], sizes = [1, 512], strides = [1, 1]} : vector<8x512xf32> to vector<1x512xf32>
    %slice3A_272 = vector.extract_strided_slice %add3A_270 {offsets = [4, 0], sizes = [1, 512], strides = [1, 1]} : vector<8x512xf32> to vector<1x512xf32>
    %add3A_273 = arith.addf %slice3A_271, %slice3A_272 : vector<1x512xf32>
    %slice3A_274 = vector.extract_strided_slice %add3A_270 {offsets = [2, 0], sizes = [1, 512], strides = [1, 1]} : vector<8x512xf32> to vector<1x512xf32>
    %slice3A_275 = vector.extract_strided_slice %add3A_270 {offsets = [6, 0], sizes = [1, 512], strides = [1, 1]} : vector<8x512xf32> to vector<1x512xf32>
    %add3A_276 = arith.addf %slice3A_274, %slice3A_275 : vector<1x512xf32>
    %add3A_277 = arith.addf %add3A_273, %add3A_276 : vector<1x512xf32>
    %slice3A_278 = vector.extract_strided_slice %add3A_270 {offsets = [1, 0], sizes = [1, 512], strides = [1, 1]} : vector<8x512xf32> to vector<1x512xf32>
    %slice3A_279 = vector.extract_strided_slice %add3A_270 {offsets = [5, 0], sizes = [1, 512], strides = [1, 1]} : vector<8x512xf32> to vector<1x512xf32>
    %add3A_280 = arith.addf %slice3A_278, %slice3A_279 : vector<1x512xf32>
    %slice3A_281 = vector.extract_strided_slice %add3A_270 {offsets = [3, 0], sizes = [1, 512], strides = [1, 1]} : vector<8x512xf32> to vector<1x512xf32>
    %slice3A_282 = vector.extract_strided_slice %add3A_270 {offsets = [7, 0], sizes = [1, 512], strides = [1, 1]} : vector<8x512xf32> to vector<1x512xf32>
    %add3A_283 = arith.addf %slice3A_281, %slice3A_282 : vector<1x512xf32>
    %add3A_284 = arith.addf %add3A_280, %add3A_283 : vector<1x512xf32>
    %add3A_285 = arith.addf %add3A_277, %add3A_284 : vector<1x512xf32>
    %add3A_286 = arith.addf %add3A_221, %add3A_285 : vector<1x512xf32>
    %mul3A_287 = arith.constant 3.906250e-03 : f32
    %mul3A_288 = vector.broadcast %mul3A_287 : f32 to vector<1x512xf32>
    %mul3A_289 = arith.mulf %add3A_286, %mul3A_288 : vector<1x512xf32>
    %lt3A = arith.cmpf olt, %mul3A_289, %mul3A_145 : vector<1x512xf32>
    %eq3A = arith.cmpf oeq, %mul3A_289, %mul3A_145 : vector<1x512xf32>
    %lt3A_290 = arith.cmpi slt, %get3A_154, %get3A_16 : vector<1x512xi32>
    %and3A = arith.andi %eq3A, %lt3A_290 : vector<1x512xi1>
    %or3A = arith.ori %lt3A, %and3A : vector<1x512xi1>
    %select_n3A = arith.select %or3A, %mul3A_289, %mul3A_145 : vector<1x512xi1>, vector<1x512xf32>
    %select_n3A_291 = arith.select %or3A, %get3A_154, %get3A_16 : vector<1x512xi1>, vector<1x512xi32>
    %broadcast_in_dim3A = vector.shape_cast %or3A : vector<1x512xi1> to vector<1x512xi1>
    %broadcast_in_dim3A_292 = vector.broadcast %broadcast_in_dim3A : vector<1x512xi1> to vector<256x512xi1>
    %select_n3A_293 = arith.select %broadcast_in_dim3A_292, %transpose3A_151, %transpose3A : vector<256x512xi1>, vector<256x512xf32>
    %get3A_294 = arith.constant 2 : index
    %get3A_295 = arith.constant 0 : index
    %get3A_296 = arith.constant 0 : index
    %get3A_297 = vector.load %arg1[%get3A_294, %get3A_295, %get3A_296] : memref<4x512x256xf32, #tpu.memory_space<vmem>>, vector<1x512x256xf32>
    %get3A_298 = vector.shape_cast %get3A_297 : vector<1x512x256xf32> to vector<512x256xf32>
    %transpose3A_299 = tpu.transpose %get3A_298, [1, 0] : vector<512x256xf32> -> vector<256x512xf32>
    %get3A_300 = arith.constant 2 : index
    %get3A_301 = arith.constant 0 : index
    %get3A_302 = vector.load %arg2[%get3A_300, %get3A_301] : memref<4x512xi32, #tpu.memory_space<vmem>>, vector<1x512xi32>
    %sub3A_303 = arith.subf %concatenate3A, %transpose3A_299 : vector<256x512xf32>
    %sub3A_304 = arith.subf %concatenate3A, %transpose3A_299 : vector<256x512xf32>
    %mul3A_305 = arith.mulf %sub3A_303, %sub3A_304 : vector<256x512xf32>
    %slice3A_306 = vector.extract_strided_slice %mul3A_305 {offsets = [0, 0], sizes = [128, 512], strides = [1, 1]} : vector<256x512xf32> to vector<128x512xf32>
    %reshape3A_307 = vector.shape_cast %slice3A_306 : vector<128x512xf32> to vector<16x8x512xf32>
    %slice3A_308 = vector.extract_strided_slice %reshape3A_307 {offsets = [0, 0, 0], sizes = [1, 8, 512], strides = [1, 1, 1]} : vector<16x8x512xf32> to vector<1x8x512xf32>
    %squeeze3A_309 = vector.shape_cast %slice3A_308 : vector<1x8x512xf32> to vector<8x512xf32>
    %slice3A_310 = vector.extract_strided_slice %reshape3A_307 {offsets = [1, 0, 0], sizes = [1, 8, 512], strides = [1, 1, 1]} : vector<16x8x512xf32> to vector<1x8x512xf32>
    %squeeze3A_311 = vector.shape_cast %slice3A_310 : vector<1x8x512xf32> to vector<8x512xf32>
    %add3A_312 = arith.addf %squeeze3A_309, %squeeze3A_311 : vector<8x512xf32>
    %slice3A_313 = vector.extract_strided_slice %reshape3A_307 {offsets = [2, 0, 0], sizes = [1, 8, 512], strides = [1, 1, 1]} : vector<16x8x512xf32> to vector<1x8x512xf32>
    %squeeze3A_314 = vector.shape_cast %slice3A_313 : vector<1x8x512xf32> to vector<8x512xf32>
    %add3A_315 = arith.addf %add3A_312, %squeeze3A_314 : vector<8x512xf32>
    %slice3A_316 = vector.extract_strided_slice %reshape3A_307 {offsets = [3, 0, 0], sizes = [1, 8, 512], strides = [1, 1, 1]} : vector<16x8x512xf32> to vector<1x8x512xf32>
    %squeeze3A_317 = vector.shape_cast %slice3A_316 : vector<1x8x512xf32> to vector<8x512xf32>
    %add3A_318 = arith.addf %add3A_315, %squeeze3A_317 : vector<8x512xf32>
    %slice3A_319 = vector.extract_strided_slice %reshape3A_307 {offsets = [4, 0, 0], sizes = [1, 8, 512], strides = [1, 1, 1]} : vector<16x8x512xf32> to vector<1x8x512xf32>
    %squeeze3A_320 = vector.shape_cast %slice3A_319 : vector<1x8x512xf32> to vector<8x512xf32>
    %add3A_321 = arith.addf %add3A_318, %squeeze3A_320 : vector<8x512xf32>
    %slice3A_322 = vector.extract_strided_slice %reshape3A_307 {offsets = [5, 0, 0], sizes = [1, 8, 512], strides = [1, 1, 1]} : vector<16x8x512xf32> to vector<1x8x512xf32>
    %squeeze3A_323 = vector.shape_cast %slice3A_322 : vector<1x8x512xf32> to vector<8x512xf32>
    %add3A_324 = arith.addf %add3A_321, %squeeze3A_323 : vector<8x512xf32>
    %slice3A_325 = vector.extract_strided_slice %reshape3A_307 {offsets = [6, 0, 0], sizes = [1, 8, 512], strides = [1, 1, 1]} : vector<16x8x512xf32> to vector<1x8x512xf32>
    %squeeze3A_326 = vector.shape_cast %slice3A_325 : vector<1x8x512xf32> to vector<8x512xf32>
    %add3A_327 = arith.addf %add3A_324, %squeeze3A_326 : vector<8x512xf32>
    %slice3A_328 = vector.extract_strided_slice %reshape3A_307 {offsets = [7, 0, 0], sizes = [1, 8, 512], strides = [1, 1, 1]} : vector<16x8x512xf32> to vector<1x8x512xf32>
    %squeeze3A_329 = vector.shape_cast %slice3A_328 : vector<1x8x512xf32> to vector<8x512xf32>
    %add3A_330 = arith.addf %add3A_327, %squeeze3A_329 : vector<8x512xf32>
    %slice3A_331 = vector.extract_strided_slice %reshape3A_307 {offsets = [8, 0, 0], sizes = [1, 8, 512], strides = [1, 1, 1]} : vector<16x8x512xf32> to vector<1x8x512xf32>
    %squeeze3A_332 = vector.shape_cast %slice3A_331 : vector<1x8x512xf32> to vector<8x512xf32>
    %add3A_333 = arith.addf %add3A_330, %squeeze3A_332 : vector<8x512xf32>
    %slice3A_334 = vector.extract_strided_slice %reshape3A_307 {offsets = [9, 0, 0], sizes = [1, 8, 512], strides = [1, 1, 1]} : vector<16x8x512xf32> to vector<1x8x512xf32>
    %squeeze3A_335 = vector.shape_cast %slice3A_334 : vector<1x8x512xf32> to vector<8x512xf32>
    %add3A_336 = arith.addf %add3A_333, %squeeze3A_335 : vector<8x512xf32>
    %slice3A_337 = vector.extract_strided_slice %reshape3A_307 {offsets = [10, 0, 0], sizes = [1, 8, 512], strides = [1, 1, 1]} : vector<16x8x512xf32> to vector<1x8x512xf32>
    %squeeze3A_338 = vector.shape_cast %slice3A_337 : vector<1x8x512xf32> to vector<8x512xf32>
    %add3A_339 = arith.addf %add3A_336, %squeeze3A_338 : vector<8x512xf32>
    %slice3A_340 = vector.extract_strided_slice %reshape3A_307 {offsets = [11, 0, 0], sizes = [1, 8, 512], strides = [1, 1, 1]} : vector<16x8x512xf32> to vector<1x8x512xf32>
    %squeeze3A_341 = vector.shape_cast %slice3A_340 : vector<1x8x512xf32> to vector<8x512xf32>
    %add3A_342 = arith.addf %add3A_339, %squeeze3A_341 : vector<8x512xf32>
    %slice3A_343 = vector.extract_strided_slice %reshape3A_307 {offsets = [12, 0, 0], sizes = [1, 8, 512], strides = [1, 1, 1]} : vector<16x8x512xf32> to vector<1x8x512xf32>
    %squeeze3A_344 = vector.shape_cast %slice3A_343 : vector<1x8x512xf32> to vector<8x512xf32>
    %add3A_345 = arith.addf %add3A_342, %squeeze3A_344 : vector<8x512xf32>
    %slice3A_346 = vector.extract_strided_slice %reshape3A_307 {offsets = [13, 0, 0], sizes = [1, 8, 512], strides = [1, 1, 1]} : vector<16x8x512xf32> to vector<1x8x512xf32>
    %squeeze3A_347 = vector.shape_cast %slice3A_346 : vector<1x8x512xf32> to vector<8x512xf32>
    %add3A_348 = arith.addf %add3A_345, %squeeze3A_347 : vector<8x512xf32>
    %slice3A_349 = vector.extract_strided_slice %reshape3A_307 {offsets = [14, 0, 0], sizes = [1, 8, 512], strides = [1, 1, 1]} : vector<16x8x512xf32> to vector<1x8x512xf32>
    %squeeze3A_350 = vector.shape_cast %slice3A_349 : vector<1x8x512xf32> to vector<8x512xf32>
    %add3A_351 = arith.addf %add3A_348, %squeeze3A_350 : vector<8x512xf32>
    %slice3A_352 = vector.extract_strided_slice %reshape3A_307 {offsets = [15, 0, 0], sizes = [1, 8, 512], strides = [1, 1, 1]} : vector<16x8x512xf32> to vector<1x8x512xf32>
    %squeeze3A_353 = vector.shape_cast %slice3A_352 : vector<1x8x512xf32> to vector<8x512xf32>
    %add3A_354 = arith.addf %add3A_351, %squeeze3A_353 : vector<8x512xf32>
    %slice3A_355 = vector.extract_strided_slice %add3A_354 {offsets = [0, 0], sizes = [1, 512], strides = [1, 1]} : vector<8x512xf32> to vector<1x512xf32>
    %slice3A_356 = vector.extract_strided_slice %add3A_354 {offsets = [4, 0], sizes = [1, 512], strides = [1, 1]} : vector<8x512xf32> to vector<1x512xf32>
    %add3A_357 = arith.addf %slice3A_355, %slice3A_356 : vector<1x512xf32>
    %slice3A_358 = vector.extract_strided_slice %add3A_354 {offsets = [2, 0], sizes = [1, 512], strides = [1, 1]} : vector<8x512xf32> to vector<1x512xf32>
    %slice3A_359 = vector.extract_strided_slice %add3A_354 {offsets = [6, 0], sizes = [1, 512], strides = [1, 1]} : vector<8x512xf32> to vector<1x512xf32>
    %add3A_360 = arith.addf %slice3A_358, %slice3A_359 : vector<1x512xf32>
    %add3A_361 = arith.addf %add3A_357, %add3A_360 : vector<1x512xf32>
    %slice3A_362 = vector.extract_strided_slice %add3A_354 {offsets = [1, 0], sizes = [1, 512], strides = [1, 1]} : vector<8x512xf32> to vector<1x512xf32>
    %slice3A_363 = vector.extract_strided_slice %add3A_354 {offsets = [5, 0], sizes = [1, 512], strides = [1, 1]} : vector<8x512xf32> to vector<1x512xf32>
    %add3A_364 = arith.addf %slice3A_362, %slice3A_363 : vector<1x512xf32>
    %slice3A_365 = vector.extract_strided_slice %add3A_354 {offsets = [3, 0], sizes = [1, 512], strides = [1, 1]} : vector<8x512xf32> to vector<1x512xf32>
    %slice3A_366 = vector.extract_strided_slice %add3A_354 {offsets = [7, 0], sizes = [1, 512], strides = [1, 1]} : vector<8x512xf32> to vector<1x512xf32>
    %add3A_367 = arith.addf %slice3A_365, %slice3A_366 : vector<1x512xf32>
    %add3A_368 = arith.addf %add3A_364, %add3A_367 : vector<1x512xf32>
    %add3A_369 = arith.addf %add3A_361, %add3A_368 : vector<1x512xf32>
    %slice3A_370 = vector.extract_strided_slice %mul3A_305 {offsets = [128, 0], sizes = [128, 512], strides = [1, 1]} : vector<256x512xf32> to vector<128x512xf32>
    %reshape3A_371 = vector.shape_cast %slice3A_370 : vector<128x512xf32> to vector<16x8x512xf32>
    %slice3A_372 = vector.extract_strided_slice %reshape3A_371 {offsets = [0, 0, 0], sizes = [1, 8, 512], strides = [1, 1, 1]} : vector<16x8x512xf32> to vector<1x8x512xf32>
    %squeeze3A_373 = vector.shape_cast %slice3A_372 : vector<1x8x512xf32> to vector<8x512xf32>
    %slice3A_374 = vector.extract_strided_slice %reshape3A_371 {offsets = [1, 0, 0], sizes = [1, 8, 512], strides = [1, 1, 1]} : vector<16x8x512xf32> to vector<1x8x512xf32>
    %squeeze3A_375 = vector.shape_cast %slice3A_374 : vector<1x8x512xf32> to vector<8x512xf32>
    %add3A_376 = arith.addf %squeeze3A_373, %squeeze3A_375 : vector<8x512xf32>
    %slice3A_377 = vector.extract_strided_slice %reshape3A_371 {offsets = [2, 0, 0], sizes = [1, 8, 512], strides = [1, 1, 1]} : vector<16x8x512xf32> to vector<1x8x512xf32>
    %squeeze3A_378 = vector.shape_cast %slice3A_377 : vector<1x8x512xf32> to vector<8x512xf32>
    %add3A_379 = arith.addf %add3A_376, %squeeze3A_378 : vector<8x512xf32>
    %slice3A_380 = vector.extract_strided_slice %reshape3A_371 {offsets = [3, 0, 0], sizes = [1, 8, 512], strides = [1, 1, 1]} : vector<16x8x512xf32> to vector<1x8x512xf32>
    %squeeze3A_381 = vector.shape_cast %slice3A_380 : vector<1x8x512xf32> to vector<8x512xf32>
    %add3A_382 = arith.addf %add3A_379, %squeeze3A_381 : vector<8x512xf32>
    %slice3A_383 = vector.extract_strided_slice %reshape3A_371 {offsets = [4, 0, 0], sizes = [1, 8, 512], strides = [1, 1, 1]} : vector<16x8x512xf32> to vector<1x8x512xf32>
    %squeeze3A_384 = vector.shape_cast %slice3A_383 : vector<1x8x512xf32> to vector<8x512xf32>
    %add3A_385 = arith.addf %add3A_382, %squeeze3A_384 : vector<8x512xf32>
    %slice3A_386 = vector.extract_strided_slice %reshape3A_371 {offsets = [5, 0, 0], sizes = [1, 8, 512], strides = [1, 1, 1]} : vector<16x8x512xf32> to vector<1x8x512xf32>
    %squeeze3A_387 = vector.shape_cast %slice3A_386 : vector<1x8x512xf32> to vector<8x512xf32>
    %add3A_388 = arith.addf %add3A_385, %squeeze3A_387 : vector<8x512xf32>
    %slice3A_389 = vector.extract_strided_slice %reshape3A_371 {offsets = [6, 0, 0], sizes = [1, 8, 512], strides = [1, 1, 1]} : vector<16x8x512xf32> to vector<1x8x512xf32>
    %squeeze3A_390 = vector.shape_cast %slice3A_389 : vector<1x8x512xf32> to vector<8x512xf32>
    %add3A_391 = arith.addf %add3A_388, %squeeze3A_390 : vector<8x512xf32>
    %slice3A_392 = vector.extract_strided_slice %reshape3A_371 {offsets = [7, 0, 0], sizes = [1, 8, 512], strides = [1, 1, 1]} : vector<16x8x512xf32> to vector<1x8x512xf32>
    %squeeze3A_393 = vector.shape_cast %slice3A_392 : vector<1x8x512xf32> to vector<8x512xf32>
    %add3A_394 = arith.addf %add3A_391, %squeeze3A_393 : vector<8x512xf32>
    %slice3A_395 = vector.extract_strided_slice %reshape3A_371 {offsets = [8, 0, 0], sizes = [1, 8, 512], strides = [1, 1, 1]} : vector<16x8x512xf32> to vector<1x8x512xf32>
    %squeeze3A_396 = vector.shape_cast %slice3A_395 : vector<1x8x512xf32> to vector<8x512xf32>
    %add3A_397 = arith.addf %add3A_394, %squeeze3A_396 : vector<8x512xf32>
    %slice3A_398 = vector.extract_strided_slice %reshape3A_371 {offsets = [9, 0, 0], sizes = [1, 8, 512], strides = [1, 1, 1]} : vector<16x8x512xf32> to vector<1x8x512xf32>
    %squeeze3A_399 = vector.shape_cast %slice3A_398 : vector<1x8x512xf32> to vector<8x512xf32>
    %add3A_400 = arith.addf %add3A_397, %squeeze3A_399 : vector<8x512xf32>
    %slice3A_401 = vector.extract_strided_slice %reshape3A_371 {offsets = [10, 0, 0], sizes = [1, 8, 512], strides = [1, 1, 1]} : vector<16x8x512xf32> to vector<1x8x512xf32>
    %squeeze3A_402 = vector.shape_cast %slice3A_401 : vector<1x8x512xf32> to vector<8x512xf32>
    %add3A_403 = arith.addf %add3A_400, %squeeze3A_402 : vector<8x512xf32>
    %slice3A_404 = vector.extract_strided_slice %reshape3A_371 {offsets = [11, 0, 0], sizes = [1, 8, 512], strides = [1, 1, 1]} : vector<16x8x512xf32> to vector<1x8x512xf32>
    %squeeze3A_405 = vector.shape_cast %slice3A_404 : vector<1x8x512xf32> to vector<8x512xf32>
    %add3A_406 = arith.addf %add3A_403, %squeeze3A_405 : vector<8x512xf32>
    %slice3A_407 = vector.extract_strided_slice %reshape3A_371 {offsets = [12, 0, 0], sizes = [1, 8, 512], strides = [1, 1, 1]} : vector<16x8x512xf32> to vector<1x8x512xf32>
    %squeeze3A_408 = vector.shape_cast %slice3A_407 : vector<1x8x512xf32> to vector<8x512xf32>
    %add3A_409 = arith.addf %add3A_406, %squeeze3A_408 : vector<8x512xf32>
    %slice3A_410 = vector.extract_strided_slice %reshape3A_371 {offsets = [13, 0, 0], sizes = [1, 8, 512], strides = [1, 1, 1]} : vector<16x8x512xf32> to vector<1x8x512xf32>
    %squeeze3A_411 = vector.shape_cast %slice3A_410 : vector<1x8x512xf32> to vector<8x512xf32>
    %add3A_412 = arith.addf %add3A_409, %squeeze3A_411 : vector<8x512xf32>
    %slice3A_413 = vector.extract_strided_slice %reshape3A_371 {offsets = [14, 0, 0], sizes = [1, 8, 512], strides = [1, 1, 1]} : vector<16x8x512xf32> to vector<1x8x512xf32>
    %squeeze3A_414 = vector.shape_cast %slice3A_413 : vector<1x8x512xf32> to vector<8x512xf32>
    %add3A_415 = arith.addf %add3A_412, %squeeze3A_414 : vector<8x512xf32>
    %slice3A_416 = vector.extract_strided_slice %reshape3A_371 {offsets = [15, 0, 0], sizes = [1, 8, 512], strides = [1, 1, 1]} : vector<16x8x512xf32> to vector<1x8x512xf32>
    %squeeze3A_417 = vector.shape_cast %slice3A_416 : vector<1x8x512xf32> to vector<8x512xf32>
    %add3A_418 = arith.addf %add3A_415, %squeeze3A_417 : vector<8x512xf32>
    %slice3A_419 = vector.extract_strided_slice %add3A_418 {offsets = [0, 0], sizes = [1, 512], strides = [1, 1]} : vector<8x512xf32> to vector<1x512xf32>
    %slice3A_420 = vector.extract_strided_slice %add3A_418 {offsets = [4, 0], sizes = [1, 512], strides = [1, 1]} : vector<8x512xf32> to vector<1x512xf32>
    %add3A_421 = arith.addf %slice3A_419, %slice3A_420 : vector<1x512xf32>
    %slice3A_422 = vector.extract_strided_slice %add3A_418 {offsets = [2, 0], sizes = [1, 512], strides = [1, 1]} : vector<8x512xf32> to vector<1x512xf32>
    %slice3A_423 = vector.extract_strided_slice %add3A_418 {offsets = [6, 0], sizes = [1, 512], strides = [1, 1]} : vector<8x512xf32> to vector<1x512xf32>
    %add3A_424 = arith.addf %slice3A_422, %slice3A_423 : vector<1x512xf32>
    %add3A_425 = arith.addf %add3A_421, %add3A_424 : vector<1x512xf32>
    %slice3A_426 = vector.extract_strided_slice %add3A_418 {offsets = [1, 0], sizes = [1, 512], strides = [1, 1]} : vector<8x512xf32> to vector<1x512xf32>
    %slice3A_427 = vector.extract_strided_slice %add3A_418 {offsets = [5, 0], sizes = [1, 512], strides = [1, 1]} : vector<8x512xf32> to vector<1x512xf32>
    %add3A_428 = arith.addf %slice3A_426, %slice3A_427 : vector<1x512xf32>
    %slice3A_429 = vector.extract_strided_slice %add3A_418 {offsets = [3, 0], sizes = [1, 512], strides = [1, 1]} : vector<8x512xf32> to vector<1x512xf32>
    %slice3A_430 = vector.extract_strided_slice %add3A_418 {offsets = [7, 0], sizes = [1, 512], strides = [1, 1]} : vector<8x512xf32> to vector<1x512xf32>
    %add3A_431 = arith.addf %slice3A_429, %slice3A_430 : vector<1x512xf32>
    %add3A_432 = arith.addf %add3A_428, %add3A_431 : vector<1x512xf32>
    %add3A_433 = arith.addf %add3A_425, %add3A_432 : vector<1x512xf32>
    %add3A_434 = arith.addf %add3A_369, %add3A_433 : vector<1x512xf32>
    %mul3A_435 = arith.constant 3.906250e-03 : f32
    %mul3A_436 = vector.broadcast %mul3A_435 : f32 to vector<1x512xf32>
    %mul3A_437 = arith.mulf %add3A_434, %mul3A_436 : vector<1x512xf32>
    %lt3A_438 = arith.cmpf olt, %mul3A_437, %select_n3A : vector<1x512xf32>
    %eq3A_439 = arith.cmpf oeq, %mul3A_437, %select_n3A : vector<1x512xf32>
    %lt3A_440 = arith.cmpi slt, %get3A_302, %select_n3A_291 : vector<1x512xi32>
    %and3A_441 = arith.andi %eq3A_439, %lt3A_440 : vector<1x512xi1>
    %or3A_442 = arith.ori %lt3A_438, %and3A_441 : vector<1x512xi1>
    %select_n3A_443 = arith.select %or3A_442, %mul3A_437, %select_n3A : vector<1x512xi1>, vector<1x512xf32>
    %select_n3A_444 = arith.select %or3A_442, %get3A_302, %select_n3A_291 : vector<1x512xi1>, vector<1x512xi32>
    %broadcast_in_dim3A_445 = vector.shape_cast %or3A_442 : vector<1x512xi1> to vector<1x512xi1>
    %broadcast_in_dim3A_446 = vector.broadcast %broadcast_in_dim3A_445 : vector<1x512xi1> to vector<256x512xi1>
    %select_n3A_447 = arith.select %broadcast_in_dim3A_446, %transpose3A_299, %select_n3A_293 : vector<256x512xi1>, vector<256x512xf32>
    %get3A_448 = arith.constant 3 : index
    %get3A_449 = arith.constant 0 : index
    %get3A_450 = arith.constant 0 : index
    %get3A_451 = vector.load %arg1[%get3A_448, %get3A_449, %get3A_450] : memref<4x512x256xf32, #tpu.memory_space<vmem>>, vector<1x512x256xf32>
    %get3A_452 = vector.shape_cast %get3A_451 : vector<1x512x256xf32> to vector<512x256xf32>
    %transpose3A_453 = tpu.transpose %get3A_452, [1, 0] : vector<512x256xf32> -> vector<256x512xf32>
    %get3A_454 = arith.constant 3 : index
    %get3A_455 = arith.constant 0 : index
    %get3A_456 = vector.load %arg2[%get3A_454, %get3A_455] : memref<4x512xi32, #tpu.memory_space<vmem>>, vector<1x512xi32>
    %sub3A_457 = arith.subf %concatenate3A, %transpose3A_453 : vector<256x512xf32>
    %sub3A_458 = arith.subf %concatenate3A, %transpose3A_453 : vector<256x512xf32>
    %mul3A_459 = arith.mulf %sub3A_457, %sub3A_458 : vector<256x512xf32>
    %slice3A_460 = vector.extract_strided_slice %mul3A_459 {offsets = [0, 0], sizes = [128, 512], strides = [1, 1]} : vector<256x512xf32> to vector<128x512xf32>
    %reshape3A_461 = vector.shape_cast %slice3A_460 : vector<128x512xf32> to vector<16x8x512xf32>
    %slice3A_462 = vector.extract_strided_slice %reshape3A_461 {offsets = [0, 0, 0], sizes = [1, 8, 512], strides = [1, 1, 1]} : vector<16x8x512xf32> to vector<1x8x512xf32>
    %squeeze3A_463 = vector.shape_cast %slice3A_462 : vector<1x8x512xf32> to vector<8x512xf32>
    %slice3A_464 = vector.extract_strided_slice %reshape3A_461 {offsets = [1, 0, 0], sizes = [1, 8, 512], strides = [1, 1, 1]} : vector<16x8x512xf32> to vector<1x8x512xf32>
    %squeeze3A_465 = vector.shape_cast %slice3A_464 : vector<1x8x512xf32> to vector<8x512xf32>
    %add3A_466 = arith.addf %squeeze3A_463, %squeeze3A_465 : vector<8x512xf32>
    %slice3A_467 = vector.extract_strided_slice %reshape3A_461 {offsets = [2, 0, 0], sizes = [1, 8, 512], strides = [1, 1, 1]} : vector<16x8x512xf32> to vector<1x8x512xf32>
    %squeeze3A_468 = vector.shape_cast %slice3A_467 : vector<1x8x512xf32> to vector<8x512xf32>
    %add3A_469 = arith.addf %add3A_466, %squeeze3A_468 : vector<8x512xf32>
    %slice3A_470 = vector.extract_strided_slice %reshape3A_461 {offsets = [3, 0, 0], sizes = [1, 8, 512], strides = [1, 1, 1]} : vector<16x8x512xf32> to vector<1x8x512xf32>
    %squeeze3A_471 = vector.shape_cast %slice3A_470 : vector<1x8x512xf32> to vector<8x512xf32>
    %add3A_472 = arith.addf %add3A_469, %squeeze3A_471 : vector<8x512xf32>
    %slice3A_473 = vector.extract_strided_slice %reshape3A_461 {offsets = [4, 0, 0], sizes = [1, 8, 512], strides = [1, 1, 1]} : vector<16x8x512xf32> to vector<1x8x512xf32>
    %squeeze3A_474 = vector.shape_cast %slice3A_473 : vector<1x8x512xf32> to vector<8x512xf32>
    %add3A_475 = arith.addf %add3A_472, %squeeze3A_474 : vector<8x512xf32>
    %slice3A_476 = vector.extract_strided_slice %reshape3A_461 {offsets = [5, 0, 0], sizes = [1, 8, 512], strides = [1, 1, 1]} : vector<16x8x512xf32> to vector<1x8x512xf32>
    %squeeze3A_477 = vector.shape_cast %slice3A_476 : vector<1x8x512xf32> to vector<8x512xf32>
    %add3A_478 = arith.addf %add3A_475, %squeeze3A_477 : vector<8x512xf32>
    %slice3A_479 = vector.extract_strided_slice %reshape3A_461 {offsets = [6, 0, 0], sizes = [1, 8, 512], strides = [1, 1, 1]} : vector<16x8x512xf32> to vector<1x8x512xf32>
    %squeeze3A_480 = vector.shape_cast %slice3A_479 : vector<1x8x512xf32> to vector<8x512xf32>
    %add3A_481 = arith.addf %add3A_478, %squeeze3A_480 : vector<8x512xf32>
    %slice3A_482 = vector.extract_strided_slice %reshape3A_461 {offsets = [7, 0, 0], sizes = [1, 8, 512], strides = [1, 1, 1]} : vector<16x8x512xf32> to vector<1x8x512xf32>
    %squeeze3A_483 = vector.shape_cast %slice3A_482 : vector<1x8x512xf32> to vector<8x512xf32>
    %add3A_484 = arith.addf %add3A_481, %squeeze3A_483 : vector<8x512xf32>
    %slice3A_485 = vector.extract_strided_slice %reshape3A_461 {offsets = [8, 0, 0], sizes = [1, 8, 512], strides = [1, 1, 1]} : vector<16x8x512xf32> to vector<1x8x512xf32>
    %squeeze3A_486 = vector.shape_cast %slice3A_485 : vector<1x8x512xf32> to vector<8x512xf32>
    %add3A_487 = arith.addf %add3A_484, %squeeze3A_486 : vector<8x512xf32>
    %slice3A_488 = vector.extract_strided_slice %reshape3A_461 {offsets = [9, 0, 0], sizes = [1, 8, 512], strides = [1, 1, 1]} : vector<16x8x512xf32> to vector<1x8x512xf32>
    %squeeze3A_489 = vector.shape_cast %slice3A_488 : vector<1x8x512xf32> to vector<8x512xf32>
    %add3A_490 = arith.addf %add3A_487, %squeeze3A_489 : vector<8x512xf32>
    %slice3A_491 = vector.extract_strided_slice %reshape3A_461 {offsets = [10, 0, 0], sizes = [1, 8, 512], strides = [1, 1, 1]} : vector<16x8x512xf32> to vector<1x8x512xf32>
    %squeeze3A_492 = vector.shape_cast %slice3A_491 : vector<1x8x512xf32> to vector<8x512xf32>
    %add3A_493 = arith.addf %add3A_490, %squeeze3A_492 : vector<8x512xf32>
    %slice3A_494 = vector.extract_strided_slice %reshape3A_461 {offsets = [11, 0, 0], sizes = [1, 8, 512], strides = [1, 1, 1]} : vector<16x8x512xf32> to vector<1x8x512xf32>
    %squeeze3A_495 = vector.shape_cast %slice3A_494 : vector<1x8x512xf32> to vector<8x512xf32>
    %add3A_496 = arith.addf %add3A_493, %squeeze3A_495 : vector<8x512xf32>
    %slice3A_497 = vector.extract_strided_slice %reshape3A_461 {offsets = [12, 0, 0], sizes = [1, 8, 512], strides = [1, 1, 1]} : vector<16x8x512xf32> to vector<1x8x512xf32>
    %squeeze3A_498 = vector.shape_cast %slice3A_497 : vector<1x8x512xf32> to vector<8x512xf32>
    %add3A_499 = arith.addf %add3A_496, %squeeze3A_498 : vector<8x512xf32>
    %slice3A_500 = vector.extract_strided_slice %reshape3A_461 {offsets = [13, 0, 0], sizes = [1, 8, 512], strides = [1, 1, 1]} : vector<16x8x512xf32> to vector<1x8x512xf32>
    %squeeze3A_501 = vector.shape_cast %slice3A_500 : vector<1x8x512xf32> to vector<8x512xf32>
    %add3A_502 = arith.addf %add3A_499, %squeeze3A_501 : vector<8x512xf32>
    %slice3A_503 = vector.extract_strided_slice %reshape3A_461 {offsets = [14, 0, 0], sizes = [1, 8, 512], strides = [1, 1, 1]} : vector<16x8x512xf32> to vector<1x8x512xf32>
    %squeeze3A_504 = vector.shape_cast %slice3A_503 : vector<1x8x512xf32> to vector<8x512xf32>
    %add3A_505 = arith.addf %add3A_502, %squeeze3A_504 : vector<8x512xf32>
    %slice3A_506 = vector.extract_strided_slice %reshape3A_461 {offsets = [15, 0, 0], sizes = [1, 8, 512], strides = [1, 1, 1]} : vector<16x8x512xf32> to vector<1x8x512xf32>
    %squeeze3A_507 = vector.shape_cast %slice3A_506 : vector<1x8x512xf32> to vector<8x512xf32>
    %add3A_508 = arith.addf %add3A_505, %squeeze3A_507 : vector<8x512xf32>
    %slice3A_509 = vector.extract_strided_slice %add3A_508 {offsets = [0, 0], sizes = [1, 512], strides = [1, 1]} : vector<8x512xf32> to vector<1x512xf32>
    %slice3A_510 = vector.extract_strided_slice %add3A_508 {offsets = [4, 0], sizes = [1, 512], strides = [1, 1]} : vector<8x512xf32> to vector<1x512xf32>
    %add3A_511 = arith.addf %slice3A_509, %slice3A_510 : vector<1x512xf32>
    %slice3A_512 = vector.extract_strided_slice %add3A_508 {offsets = [2, 0], sizes = [1, 512], strides = [1, 1]} : vector<8x512xf32> to vector<1x512xf32>
    %slice3A_513 = vector.extract_strided_slice %add3A_508 {offsets = [6, 0], sizes = [1, 512], strides = [1, 1]} : vector<8x512xf32> to vector<1x512xf32>
    %add3A_514 = arith.addf %slice3A_512, %slice3A_513 : vector<1x512xf32>
    %add3A_515 = arith.addf %add3A_511, %add3A_514 : vector<1x512xf32>
    %slice3A_516 = vector.extract_strided_slice %add3A_508 {offsets = [1, 0], sizes = [1, 512], strides = [1, 1]} : vector<8x512xf32> to vector<1x512xf32>
    %slice3A_517 = vector.extract_strided_slice %add3A_508 {offsets = [5, 0], sizes = [1, 512], strides = [1, 1]} : vector<8x512xf32> to vector<1x512xf32>
    %add3A_518 = arith.addf %slice3A_516, %slice3A_517 : vector<1x512xf32>
    %slice3A_519 = vector.extract_strided_slice %add3A_508 {offsets = [3, 0], sizes = [1, 512], strides = [1, 1]} : vector<8x512xf32> to vector<1x512xf32>
    %slice3A_520 = vector.extract_strided_slice %add3A_508 {offsets = [7, 0], sizes = [1, 512], strides = [1, 1]} : vector<8x512xf32> to vector<1x512xf32>
    %add3A_521 = arith.addf %slice3A_519, %slice3A_520 : vector<1x512xf32>
    %add3A_522 = arith.addf %add3A_518, %add3A_521 : vector<1x512xf32>
    %add3A_523 = arith.addf %add3A_515, %add3A_522 : vector<1x512xf32>
    %slice3A_524 = vector.extract_strided_slice %mul3A_459 {offsets = [128, 0], sizes = [128, 512], strides = [1, 1]} : vector<256x512xf32> to vector<128x512xf32>
    %reshape3A_525 = vector.shape_cast %slice3A_524 : vector<128x512xf32> to vector<16x8x512xf32>
    %slice3A_526 = vector.extract_strided_slice %reshape3A_525 {offsets = [0, 0, 0], sizes = [1, 8, 512], strides = [1, 1, 1]} : vector<16x8x512xf32> to vector<1x8x512xf32>
    %squeeze3A_527 = vector.shape_cast %slice3A_526 : vector<1x8x512xf32> to vector<8x512xf32>
    %slice3A_528 = vector.extract_strided_slice %reshape3A_525 {offsets = [1, 0, 0], sizes = [1, 8, 512], strides = [1, 1, 1]} : vector<16x8x512xf32> to vector<1x8x512xf32>
    %squeeze3A_529 = vector.shape_cast %slice3A_528 : vector<1x8x512xf32> to vector<8x512xf32>
    %add3A_530 = arith.addf %squeeze3A_527, %squeeze3A_529 : vector<8x512xf32>
    %slice3A_531 = vector.extract_strided_slice %reshape3A_525 {offsets = [2, 0, 0], sizes = [1, 8, 512], strides = [1, 1, 1]} : vector<16x8x512xf32> to vector<1x8x512xf32>
    %squeeze3A_532 = vector.shape_cast %slice3A_531 : vector<1x8x512xf32> to vector<8x512xf32>
    %add3A_533 = arith.addf %add3A_530, %squeeze3A_532 : vector<8x512xf32>
    %slice3A_534 = vector.extract_strided_slice %reshape3A_525 {offsets = [3, 0, 0], sizes = [1, 8, 512], strides = [1, 1, 1]} : vector<16x8x512xf32> to vector<1x8x512xf32>
    %squeeze3A_535 = vector.shape_cast %slice3A_534 : vector<1x8x512xf32> to vector<8x512xf32>
    %add3A_536 = arith.addf %add3A_533, %squeeze3A_535 : vector<8x512xf32>
    %slice3A_537 = vector.extract_strided_slice %reshape3A_525 {offsets = [4, 0, 0], sizes = [1, 8, 512], strides = [1, 1, 1]} : vector<16x8x512xf32> to vector<1x8x512xf32>
    %squeeze3A_538 = vector.shape_cast %slice3A_537 : vector<1x8x512xf32> to vector<8x512xf32>
    %add3A_539 = arith.addf %add3A_536, %squeeze3A_538 : vector<8x512xf32>
    %slice3A_540 = vector.extract_strided_slice %reshape3A_525 {offsets = [5, 0, 0], sizes = [1, 8, 512], strides = [1, 1, 1]} : vector<16x8x512xf32> to vector<1x8x512xf32>
    %squeeze3A_541 = vector.shape_cast %slice3A_540 : vector<1x8x512xf32> to vector<8x512xf32>
    %add3A_542 = arith.addf %add3A_539, %squeeze3A_541 : vector<8x512xf32>
    %slice3A_543 = vector.extract_strided_slice %reshape3A_525 {offsets = [6, 0, 0], sizes = [1, 8, 512], strides = [1, 1, 1]} : vector<16x8x512xf32> to vector<1x8x512xf32>
    %squeeze3A_544 = vector.shape_cast %slice3A_543 : vector<1x8x512xf32> to vector<8x512xf32>
    %add3A_545 = arith.addf %add3A_542, %squeeze3A_544 : vector<8x512xf32>
    %slice3A_546 = vector.extract_strided_slice %reshape3A_525 {offsets = [7, 0, 0], sizes = [1, 8, 512], strides = [1, 1, 1]} : vector<16x8x512xf32> to vector<1x8x512xf32>
    %squeeze3A_547 = vector.shape_cast %slice3A_546 : vector<1x8x512xf32> to vector<8x512xf32>
    %add3A_548 = arith.addf %add3A_545, %squeeze3A_547 : vector<8x512xf32>
    %slice3A_549 = vector.extract_strided_slice %reshape3A_525 {offsets = [8, 0, 0], sizes = [1, 8, 512], strides = [1, 1, 1]} : vector<16x8x512xf32> to vector<1x8x512xf32>
    %squeeze3A_550 = vector.shape_cast %slice3A_549 : vector<1x8x512xf32> to vector<8x512xf32>
    %add3A_551 = arith.addf %add3A_548, %squeeze3A_550 : vector<8x512xf32>
    %slice3A_552 = vector.extract_strided_slice %reshape3A_525 {offsets = [9, 0, 0], sizes = [1, 8, 512], strides = [1, 1, 1]} : vector<16x8x512xf32> to vector<1x8x512xf32>
    %squeeze3A_553 = vector.shape_cast %slice3A_552 : vector<1x8x512xf32> to vector<8x512xf32>
    %add3A_554 = arith.addf %add3A_551, %squeeze3A_553 : vector<8x512xf32>
    %slice3A_555 = vector.extract_strided_slice %reshape3A_525 {offsets = [10, 0, 0], sizes = [1, 8, 512], strides = [1, 1, 1]} : vector<16x8x512xf32> to vector<1x8x512xf32>
    %squeeze3A_556 = vector.shape_cast %slice3A_555 : vector<1x8x512xf32> to vector<8x512xf32>
    %add3A_557 = arith.addf %add3A_554, %squeeze3A_556 : vector<8x512xf32>
    %slice3A_558 = vector.extract_strided_slice %reshape3A_525 {offsets = [11, 0, 0], sizes = [1, 8, 512], strides = [1, 1, 1]} : vector<16x8x512xf32> to vector<1x8x512xf32>
    %squeeze3A_559 = vector.shape_cast %slice3A_558 : vector<1x8x512xf32> to vector<8x512xf32>
    %add3A_560 = arith.addf %add3A_557, %squeeze3A_559 : vector<8x512xf32>
    %slice3A_561 = vector.extract_strided_slice %reshape3A_525 {offsets = [12, 0, 0], sizes = [1, 8, 512], strides = [1, 1, 1]} : vector<16x8x512xf32> to vector<1x8x512xf32>
    %squeeze3A_562 = vector.shape_cast %slice3A_561 : vector<1x8x512xf32> to vector<8x512xf32>
    %add3A_563 = arith.addf %add3A_560, %squeeze3A_562 : vector<8x512xf32>
    %slice3A_564 = vector.extract_strided_slice %reshape3A_525 {offsets = [13, 0, 0], sizes = [1, 8, 512], strides = [1, 1, 1]} : vector<16x8x512xf32> to vector<1x8x512xf32>
    %squeeze3A_565 = vector.shape_cast %slice3A_564 : vector<1x8x512xf32> to vector<8x512xf32>
    %add3A_566 = arith.addf %add3A_563, %squeeze3A_565 : vector<8x512xf32>
    %slice3A_567 = vector.extract_strided_slice %reshape3A_525 {offsets = [14, 0, 0], sizes = [1, 8, 512], strides = [1, 1, 1]} : vector<16x8x512xf32> to vector<1x8x512xf32>
    %squeeze3A_568 = vector.shape_cast %slice3A_567 : vector<1x8x512xf32> to vector<8x512xf32>
    %add3A_569 = arith.addf %add3A_566, %squeeze3A_568 : vector<8x512xf32>
    %slice3A_570 = vector.extract_strided_slice %reshape3A_525 {offsets = [15, 0, 0], sizes = [1, 8, 512], strides = [1, 1, 1]} : vector<16x8x512xf32> to vector<1x8x512xf32>
    %squeeze3A_571 = vector.shape_cast %slice3A_570 : vector<1x8x512xf32> to vector<8x512xf32>
    %add3A_572 = arith.addf %add3A_569, %squeeze3A_571 : vector<8x512xf32>
    %slice3A_573 = vector.extract_strided_slice %add3A_572 {offsets = [0, 0], sizes = [1, 512], strides = [1, 1]} : vector<8x512xf32> to vector<1x512xf32>
    %slice3A_574 = vector.extract_strided_slice %add3A_572 {offsets = [4, 0], sizes = [1, 512], strides = [1, 1]} : vector<8x512xf32> to vector<1x512xf32>
    %add3A_575 = arith.addf %slice3A_573, %slice3A_574 : vector<1x512xf32>
    %slice3A_576 = vector.extract_strided_slice %add3A_572 {offsets = [2, 0], sizes = [1, 512], strides = [1, 1]} : vector<8x512xf32> to vector<1x512xf32>
    %slice3A_577 = vector.extract_strided_slice %add3A_572 {offsets = [6, 0], sizes = [1, 512], strides = [1, 1]} : vector<8x512xf32> to vector<1x512xf32>
    %add3A_578 = arith.addf %slice3A_576, %slice3A_577 : vector<1x512xf32>
    %add3A_579 = arith.addf %add3A_575, %add3A_578 : vector<1x512xf32>
    %slice3A_580 = vector.extract_strided_slice %add3A_572 {offsets = [1, 0], sizes = [1, 512], strides = [1, 1]} : vector<8x512xf32> to vector<1x512xf32>
    %slice3A_581 = vector.extract_strided_slice %add3A_572 {offsets = [5, 0], sizes = [1, 512], strides = [1, 1]} : vector<8x512xf32> to vector<1x512xf32>
    %add3A_582 = arith.addf %slice3A_580, %slice3A_581 : vector<1x512xf32>
    %slice3A_583 = vector.extract_strided_slice %add3A_572 {offsets = [3, 0], sizes = [1, 512], strides = [1, 1]} : vector<8x512xf32> to vector<1x512xf32>
    %slice3A_584 = vector.extract_strided_slice %add3A_572 {offsets = [7, 0], sizes = [1, 512], strides = [1, 1]} : vector<8x512xf32> to vector<1x512xf32>
    %add3A_585 = arith.addf %slice3A_583, %slice3A_584 : vector<1x512xf32>
    %add3A_586 = arith.addf %add3A_582, %add3A_585 : vector<1x512xf32>
    %add3A_587 = arith.addf %add3A_579, %add3A_586 : vector<1x512xf32>
    %add3A_588 = arith.addf %add3A_523, %add3A_587 : vector<1x512xf32>
    %mul3A_589 = arith.constant 3.906250e-03 : f32
    %mul3A_590 = vector.broadcast %mul3A_589 : f32 to vector<1x512xf32>
    %mul3A_591 = arith.mulf %add3A_588, %mul3A_590 : vector<1x512xf32>
    %lt3A_592 = arith.cmpf olt, %mul3A_591, %select_n3A_443 : vector<1x512xf32>
    %eq3A_593 = arith.cmpf oeq, %mul3A_591, %select_n3A_443 : vector<1x512xf32>
    %lt3A_594 = arith.cmpi slt, %get3A_456, %select_n3A_444 : vector<1x512xi32>
    %and3A_595 = arith.andi %eq3A_593, %lt3A_594 : vector<1x512xi1>
    %or3A_596 = arith.ori %lt3A_592, %and3A_595 : vector<1x512xi1>
    %select_n3A_597 = arith.select %or3A_596, %get3A_456, %select_n3A_444 : vector<1x512xi1>, vector<1x512xi32>
    %broadcast_in_dim3A_598 = vector.shape_cast %or3A_596 : vector<1x512xi1> to vector<1x512xi1>
    %broadcast_in_dim3A_599 = vector.broadcast %broadcast_in_dim3A_598 : vector<1x512xi1> to vector<256x512xi1>
    %select_n3A_600 = arith.select %broadcast_in_dim3A_599, %transpose3A_453, %select_n3A_447 : vector<256x512xi1>, vector<256x512xf32>
    %sub3A_601 = arith.subf %select_n3A_600, %concatenate3A : vector<256x512xf32>
    %mul3A_602 = arith.mulf %sub3A_601, %sub3A_601 : vector<256x512xf32>
    %reduce_sum3A = vector.shape_cast %mul3A_602 : vector<256x512xf32> to vector<1x256x512xf32>
    %reduce_sum3A_603 = arith.constant dense<0.000000e+00> : vector<1xf32>
    %reduce_sum3A_604 = vector.multi_reduction <add>, %reduce_sum3A, %reduce_sum3A_603 [1, 2] : vector<1x256x512xf32> to vector<1xf32>
    %reduce_sum3A_605 = vector.shape_cast %reduce_sum3A_604 : vector<1xf32> to vector<1x1x1xf32>
    %reduce_sum3A_606 = vector.extract %reduce_sum3A_605[0, 0, 0] : f32 from vector<1x1x1xf32>
    %mul3A_607 = arith.constant 7.62939453E-6 : f32
    %mul3A_608 = arith.mulf %reduce_sum3A_606, %mul3A_607 : f32
    %mul3A_609 = arith.constant 2.500000e-01 : f32
    %mul3A_610 = arith.mulf %mul3A_609, %mul3A_608 : f32
    %add3A_611 = arith.addf %mul3A_608, %mul3A_610 : f32
    %broadcast_in_dim3A_612 = vector.broadcast %add3A_611 : f32 to vector<1x1xf32>
    %swap3A = arith.constant 0 : index
    %swap3A_613 = arith.constant 0 : index
    %swap3A_614 = vector.load %arg3[%swap3A, %swap3A_613] : memref<1x1xf32, #tpu.memory_space<vmem>>, vector<1x1xf32>
    tpu.vector_store %arg3[%swap3A, %swap3A_613], %broadcast_in_dim3A_612 {strides = array<i32>} : memref<1x1xf32, #tpu.memory_space<vmem>>, vector<1x1xf32>,
    %sub3A_615 = arith.subf %select_n3A_600, %concatenate3A : vector<256x512xf32>
    %add3A_616 = arith.addf %concatenate3A, %sub3A_615 : vector<256x512xf32>
    %slice3A_617 = vector.extract_strided_slice %add3A_616 {offsets = [0, 0], sizes = [256, 256], strides = [1, 1]} : vector<256x512xf32> to vector<256x256xf32>
    %slice3A_618 = vector.extract_strided_slice %add3A_616 {offsets = [0, 256], sizes = [256, 256], strides = [1, 1]} : vector<256x512xf32> to vector<256x256xf32>
    %stack3A = vector.shape_cast %slice3A_617 : vector<256x256xf32> to vector<1x256x256xf32>
    %stack3A_619 = vector.shape_cast %slice3A_618 : vector<256x256xf32> to vector<1x256x256xf32>
    %stack3A_620 = tpu.concatenate %stack3A, %stack3A_619 in 0 : vector<1x256x256xf32>, vector<1x256x256xf32> -> vector<2x256x256xf32>
    %swap3A_621 = arith.constant 0 : index
    %swap3A_622 = arith.constant 0 : index
    %swap3A_623 = arith.constant 0 : index
    %swap3A_624 = vector.load %arg4[%swap3A_621, %swap3A_622, %swap3A_623] : memref<2x256x256xf32, #tpu.memory_space<vmem>>, vector<2x256x256xf32>
    tpu.vector_store %arg4[%swap3A_621, %swap3A_622, %swap3A_623], %stack3A_620 {strides = array<i32>} : memref<2x256x256xf32, #tpu.memory_space<vmem>>, vector<2x256x256xf32>,
    %swap3A_625 = arith.constant 0 : index
    %swap3A_626 = arith.constant 0 : index
    %swap3A_627 = vector.load %arg5[%swap3A_625, %swap3A_626] : memref<1x512xi32, #tpu.memory_space<vmem>>, vector<1x512xi32>
    tpu.vector_store %arg5[%swap3A_625, %swap3A_626], %select_n3A_597 {strides = array<i32>} : memref<1x512xi32, #tpu.memory_space<vmem>>, vector<1x512xi32>,
    return
  }
}

module attributes {stable_mosaic.version = 14 : i64} {
  func.func @_topk_kernel(%arg0: memref<2x256x256xf32, #tpu.memory_space<vmem>>, %arg1: memref<1024x256xf32, #tpu.memory_space<vmem>>, %arg2: memref<4x512xi32, #tpu.memory_space<vmem>>) attributes {dimension_semantics = [], scalar_prefetch = 0 : i64, scratch_operands = 0 : i64, tpu.core_type = #tpu.core_type<tc>} {
    %get3A = arith.constant 0 : index
    %get3A_0 = arith.constant 0 : index
    %get3A_1 = arith.constant 0 : index
    %get3A_2 = vector.load %arg0[%get3A, %get3A_0, %get3A_1] : memref<2x256x256xf32, #tpu.memory_space<vmem>>, vector<1x256x256xf32>
    %get3A_3 = vector.shape_cast %get3A_2 : vector<1x256x256xf32> to vector<256x256xf32>
    %get3A_4 = arith.constant 1 : index
    %get3A_5 = arith.constant 0 : index
    %get3A_6 = arith.constant 0 : index
    %get3A_7 = vector.load %arg0[%get3A_4, %get3A_5, %get3A_6] : memref<2x256x256xf32, #tpu.memory_space<vmem>>, vector<1x256x256xf32>
    %get3A_8 = vector.shape_cast %get3A_7 : vector<1x256x256xf32> to vector<256x256xf32>
    %concatenate3A = tpu.concatenate %get3A_3, %get3A_8 in 1 : vector<256x256xf32>, vector<256x256xf32> -> vector<256x512xf32>
    %get3A_9 = arith.constant 0 : index
    %get3A_10 = arith.constant 0 : index
    %get3A_11 = vector.load %arg1[%get3A_9, %get3A_10] : memref<1024x256xf32, #tpu.memory_space<vmem>>, vector<1024x256xf32>
    %convert_element_type3A = arith.truncf %get3A_11 : vector<1024x256xf32> to vector<1024x256xbf16>
    %convert_element_type3A_12 = arith.extf %convert_element_type3A : vector<1024x256xbf16> to vector<1024x256xf32>
    %sub3A = arith.subf %get3A_11, %convert_element_type3A_12 : vector<1024x256xf32>
    %convert_element_type3A_13 = arith.truncf %sub3A : vector<1024x256xf32> to vector<1024x256xbf16>
    %convert_element_type3A_14 = arith.truncf %concatenate3A : vector<256x512xf32> to vector<256x512xbf16>
    %convert_element_type3A_15 = arith.extf %convert_element_type3A_14 : vector<256x512xbf16> to vector<256x512xf32>
    %sub3A_16 = arith.subf %concatenate3A, %convert_element_type3A_15 : vector<256x512xf32>
    %convert_element_type3A_17 = arith.truncf %sub3A_16 : vector<256x512xf32> to vector<256x512xbf16>
    %dot_general3A = arith.constant dense<0.000000e+00> : vector<1024x512xf32>
    %dot_general3A_18 = tpu.matmul %convert_element_type3A, %convert_element_type3A_14, %dot_general3A {dimension_numbers = #tpu.dot_dimension_numbers<[1], [0], [0], [1], [0, 0, 1, 1], [], []>, transpose_lhs_hint = false} : vector<1024x256xbf16>, vector<256x512xbf16>, vector<1024x512xf32> -> vector<1024x512xf32>
    %dot_general3A_19 = arith.constant dense<0.000000e+00> : vector<1024x512xf32>
    %dot_general3A_20 = tpu.matmul %convert_element_type3A, %convert_element_type3A_17, %dot_general3A_19 {dimension_numbers = #tpu.dot_dimension_numbers<[1], [0], [0], [1], [0, 0, 1, 1], [], []>, transpose_lhs_hint = false} : vector<1024x256xbf16>, vector<256x512xbf16>, vector<1024x512xf32> -> vector<1024x512xf32>
    %add3A = arith.addf %dot_general3A_18, %dot_general3A_20 : vector<1024x512xf32>
    %dot_general3A_21 = arith.constant dense<0.000000e+00> : vector<1024x512xf32>
    %dot_general3A_22 = tpu.matmul %convert_element_type3A_13, %convert_element_type3A_14, %dot_general3A_21 {dimension_numbers = #tpu.dot_dimension_numbers<[1], [0], [0], [1], [0, 0, 1, 1], [], []>, transpose_lhs_hint = false} : vector<1024x256xbf16>, vector<256x512xbf16>, vector<1024x512xf32> -> vector<1024x512xf32>
    %add3A_23 = arith.addf %add3A, %dot_general3A_22 : vector<1024x512xf32>
    %mul3A = arith.mulf %get3A_11, %get3A_11 : vector<1024x256xf32>
    %convert_element_type3A_24 = arith.truncf %mul3A : vector<1024x256xf32> to vector<1024x256xbf16>
    %convert_element_type3A_25 = arith.extf %convert_element_type3A_24 : vector<1024x256xbf16> to vector<1024x256xf32>
    %sub3A_26 = arith.subf %mul3A, %convert_element_type3A_25 : vector<1024x256xf32>
    %convert_element_type3A_27 = arith.truncf %sub3A_26 : vector<1024x256xf32> to vector<1024x256xbf16>
    %broadcast_in_dim3A = arith.constant 1.000000e+00 : bf16
    %broadcast_in_dim3A_28 = vector.broadcast %broadcast_in_dim3A : bf16 to vector<256x1xbf16>
    %dot_general3A_29 = arith.constant dense<0.000000e+00> : vector<1024x1xf32>
    %dot_general3A_30 = tpu.matmul %convert_element_type3A_24, %broadcast_in_dim3A_28, %dot_general3A_29 {dimension_numbers = #tpu.dot_dimension_numbers<[1], [0], [0], [1], [0, 0, 1, 1], [], []>, transpose_lhs_hint = false} : vector<1024x256xbf16>, vector<256x1xbf16>, vector<1024x1xf32> -> vector<1024x1xf32>
    %dot_general3A_31 = arith.constant dense<0.000000e+00> : vector<1024x1xf32>
    %dot_general3A_32 = tpu.matmul %convert_element_type3A_27, %broadcast_in_dim3A_28, %dot_general3A_31 {dimension_numbers = #tpu.dot_dimension_numbers<[1], [0], [0], [1], [0, 0, 1, 1], [], []>, transpose_lhs_hint = false} : vector<1024x256xbf16>, vector<256x1xbf16>, vector<1024x1xf32> -> vector<1024x1xf32>
    %add3A_33 = arith.addf %dot_general3A_30, %dot_general3A_32 : vector<1024x1xf32>
    %mul3A_34 = arith.constant 2.000000e+00 : f32
    %mul3A_35 = vector.broadcast %mul3A_34 : f32 to vector<1024x512xf32>
    %mul3A_36 = arith.mulf %mul3A_35, %add3A_23 : vector<1024x512xf32>
    %sub3A_37 = vector.broadcast %add3A_33 : vector<1024x1xf32> to vector<1024x512xf32>
    %sub3A_38 = arith.subf %sub3A_37, %mul3A_36 : vector<1024x512xf32>
    %iota3A = tpu.iota {dimensions = array<i32: 0>} : vector<1024x512xi32>
    %mul3A_39 = arith.constant 0x49800000 : f32
    %mul3A_40 = vector.broadcast %mul3A_39 : f32 to vector<1024x512xf32>
    %mul3A_41 = arith.mulf %sub3A_38, %mul3A_40 : vector<1024x512xf32>
    %convert_element_type3A_42 = arith.fptosi %mul3A_41 : vector<1024x512xf32> to vector<1024x512xi32>
    %add3A_43 = arith.constant 1048576 : i32
    %add3A_44 = vector.broadcast %add3A_43 : i32 to vector<1024x512xi32>
    %add3A_45 = arith.addi %convert_element_type3A_42, %add3A_44 : vector<1024x512xi32>
    %shift_left3A = arith.constant 10 : i32
    %shift_left3A_46 = vector.broadcast %shift_left3A : i32 to vector<1024x512xi32>
    %shift_left3A_47 = arith.shli %add3A_45, %shift_left3A_46 : vector<1024x512xi32>
    %or3A = arith.ori %shift_left3A_47, %iota3A : vector<1024x512xi32>
    %reduce_min3A = arith.constant dense<2147483647> : vector<512xi32>
    %reduce_min3A_48 = vector.multi_reduction <minsi>, %or3A, %reduce_min3A [0] : vector<1024x512xi32> to vector<512xi32>
    %broadcast_in_dim3A_49 = vector.shape_cast %reduce_min3A_48 : vector<512xi32> to vector<1x512xi32>
    %and3A = arith.constant 1023 : i32
    %and3A_50 = vector.broadcast %and3A : i32 to vector<1x512xi32>
    %and3A_51 = arith.andi %broadcast_in_dim3A_49, %and3A_50 : vector<1x512xi32>
    %eq3A = vector.broadcast %broadcast_in_dim3A_49 : vector<1x512xi32> to vector<1024x512xi32>
    %eq3A_52 = arith.cmpi eq, %or3A, %eq3A : vector<1024x512xi32>
    %jit3A = arith.constant 2147483647 : i32
    %broadcast_in_dim3A_53 = vector.broadcast %jit3A : i32 to vector<1024x512xi32>
    %select_n3A = arith.select %eq3A_52, %broadcast_in_dim3A_53, %or3A : vector<1024x512xi1>, vector<1024x512xi32>
    %reduce_min3A_54 = arith.constant dense<2147483647> : vector<512xi32>
    %reduce_min3A_55 = vector.multi_reduction <minsi>, %select_n3A, %reduce_min3A_54 [0] : vector<1024x512xi32> to vector<512xi32>
    %broadcast_in_dim3A_56 = vector.shape_cast %reduce_min3A_55 : vector<512xi32> to vector<1x512xi32>
    %and3A_57 = arith.constant 1023 : i32
    %and3A_58 = vector.broadcast %and3A_57 : i32 to vector<1x512xi32>
    %and3A_59 = arith.andi %broadcast_in_dim3A_56, %and3A_58 : vector<1x512xi32>
    %eq3A_60 = vector.broadcast %broadcast_in_dim3A_56 : vector<1x512xi32> to vector<1024x512xi32>
    %eq3A_61 = arith.cmpi eq, %select_n3A, %eq3A_60 : vector<1024x512xi32>
    %jit3A_62 = arith.constant 2147483647 : i32
    %broadcast_in_dim3A_63 = vector.broadcast %jit3A_62 : i32 to vector<1024x512xi32>
    %select_n3A_64 = arith.select %eq3A_61, %broadcast_in_dim3A_63, %select_n3A : vector<1024x512xi1>, vector<1024x512xi32>
    %reduce_min3A_65 = arith.constant dense<2147483647> : vector<512xi32>
    %reduce_min3A_66 = vector.multi_reduction <minsi>, %select_n3A_64, %reduce_min3A_65 [0] : vector<1024x512xi32> to vector<512xi32>
    %broadcast_in_dim3A_67 = vector.shape_cast %reduce_min3A_66 : vector<512xi32> to vector<1x512xi32>
    %and3A_68 = arith.constant 1023 : i32
    %and3A_69 = vector.broadcast %and3A_68 : i32 to vector<1x512xi32>
    %and3A_70 = arith.andi %broadcast_in_dim3A_67, %and3A_69 : vector<1x512xi32>
    %eq3A_71 = vector.broadcast %broadcast_in_dim3A_67 : vector<1x512xi32> to vector<1024x512xi32>
    %eq3A_72 = arith.cmpi eq, %select_n3A_64, %eq3A_71 : vector<1024x512xi32>
    %jit3A_73 = arith.constant 2147483647 : i32
    %broadcast_in_dim3A_74 = vector.broadcast %jit3A_73 : i32 to vector<1024x512xi32>
    %select_n3A_75 = arith.select %eq3A_72, %broadcast_in_dim3A_74, %select_n3A_64 : vector<1024x512xi1>, vector<1024x512xi32>
    %reduce_min3A_76 = arith.constant dense<2147483647> : vector<512xi32>
    %reduce_min3A_77 = vector.multi_reduction <minsi>, %select_n3A_75, %reduce_min3A_76 [0] : vector<1024x512xi32> to vector<512xi32>
    %broadcast_in_dim3A_78 = vector.shape_cast %reduce_min3A_77 : vector<512xi32> to vector<1x512xi32>
    %and3A_79 = arith.constant 1023 : i32
    %and3A_80 = vector.broadcast %and3A_79 : i32 to vector<1x512xi32>
    %and3A_81 = arith.andi %broadcast_in_dim3A_78, %and3A_80 : vector<1x512xi32>
    %concatenate3A_82 = tpu.concatenate %and3A_51, %and3A_59, %and3A_70, %and3A_81 in 0 : vector<1x512xi32>, vector<1x512xi32>, vector<1x512xi32>, vector<1x512xi32> -> vector<4x512xi32>
    %swap3A = arith.constant 0 : index
    %swap3A_83 = arith.constant 0 : index
    %swap3A_84 = vector.load %arg2[%swap3A, %swap3A_83] : memref<4x512xi32, #tpu.memory_space<vmem>>, vector<4x512xi32>
    tpu.vector_store %arg2[%swap3A, %swap3A_83], %concatenate3A_82 {strides = array<i32>} : memref<4x512xi32, #tpu.memory_space<vmem>>, vector<4x512xi32>,
    return
  }
}

</mosaic_0001>

<sc_bundles>
// kernel: kernel.5.cloned.1.call-start
scs
__scs_entry_jumppad:
0x0: {  	(pc) =	sbr.rel $0x88, $3  }
0x1: {  	(tag) =	ssettag $0x0;
	lr =	simm.s32 $0x1  }
0x2: {  	[smem:$0x3F9F] =	sst lr;
	_ =	strace $0xD0000000  }
0x3: {  	_ = 	snop  }
0x4: {  	_ = 	snop  }
0x5: {  	_ = 	snop  }
0x6: {  	_ = 	snop  }
0x7: {  	_ = 	snop  }
__scs_overlays_trampoline_lowered:
0x8: {  	[smem:$0x3FAE] =	sst s0  }
0x9: {  	[smem:$0x3FAF] =	sst s1  }
0xa: {  	[smem:$0x3FB0] =	sst s2  }
0xb: {  	[smem:$0x3FB1] =	sst s3  }
0xc: {  	[smem:$0x3FB2] =	sst s4  }
0xd: {  	[smem:$0x3FB3] =	sst s5  }
0xe: {  	[smem:$0x3FB4] =	sst s6  }
0xf: {  	[smem:$0x3FB5] =	sst s7  }
0x10: {  	[smem:$0x3FB6] =	sst s8  }
0x11: {  	[smem:$0x3FB7] =	sst s9;
	s0 =	simm.s32 @!p0 $0x0  }
0x12: {  	s1 =	sld [smem:$0x3F9D];
	s0 =	simm.s32 @p0 $0x1  }
0x13: {  	[smem:$0x3FB8] =	sst s0;
	s0 =	simm.s32 @!p1 $0x0  }
0x14: {  	s2 =	sld [smem:$0x3F9C];
	s0 =	simm.s32 @p1 $0x1  }
0x15: {  	[smem:$0x3FB9] =	sst s0;
	s0 =	simm.s32 @!p2 $0x0  }
0x16: {  	s3 =	sld [smem:$0x3FDB];
	s0 =	simm.s32 @p2 $0x1  }
0x17: {  	s4 =	simm.s32 $0x1BF5;
	[smem:$0x3FBB] =	sst s0  }
0x18: {  	s0 =	sld [smem:$0x3F9E];
	_ =	swait.ge [sflag:s4], $0x0  }
0x19: {  	s7 =	sld [smem:$0x3F9F]  }
0x1a: {  	s8 =	sadd.s32 $0xFFFFE003, lr  }
0x1b: {  	s9 =	sadd.s32 $0xFFFFFEF7, lr;
	s5 =	simm.s32 $0xFFFFFFFF;
	p2 =	slt.u32 s8, $0xFFFFF086  }
0x1c: {  	p1 =	slt.u32 s9, $0xF7A;
	s5 =	simm.s32 @!p2 $0x0  }
0x1d: {  	s5 =	simm.s32 @p1 $0x1;
	p0 =	seq.s32 s7, s2  }
0x1e: {  	s7 =	smul.u32 @!p0 $0xF7A, s2;
	p2 =	seq.s32 @!p0 s5, $0x0  }
0x1f: {  	s9 =	smul.u32 $0xF7A, s1;
	s8 =	simm.s32 @!p0 $0x1BF5;
	p2 =	por !p2, p0  }
0x20: {  	[sflag:s8] =	ssyncset.s32 @!p0 $0xFFFFF086;
	s6 =	sadd.s32 @!p0 s3, s7;
	s7 =	simm.s32 @!p0 $0x108  }
0x21: {  	s3 =	sadd.s32 s3, s9;
	s6 =	sadd.s32 @!p0 $0x88, s6;
	s7 =	simm.s32 @p2 $0x1082  }
0x22: {  	[simem:s7], [sflag:s8] =	dma.local @!p0 [hbm:s6], $0xF7A  }
0x23: {  	s9 =	sor.u32 $0xD0000000, s2;
	s6 =	simm.s32 $0x108;
	_ =	swait.ge @!p0 [sflag:s8], $0x0  }
0x24: {  	s3 =	sadd.s32 $0x88, s3;
	s6 =	simm.s32 @!p1 $0x1082;
	[sflag:s4] =	ssyncset.s32 $0xFFFFF086  }
0x25: {  	[simem:s6], [sflag:s4] =	dma.local [hbm:s3], $0xF7A  }
0x26: {  	[smem:$0x3F9F] =	sst s1;
	(tag) =	ssettag s2;
	_ =	strace s9  }
0x27: {  	s1 =	sld [smem:$0x3FAF]  }
0x28: {  	s2 =	sld [smem:$0x3FB0]  }
0x29: {  	s4 =	sld [smem:$0x3FB2]  }
0x2a: {  	p0 =	seq.s32 s5, $0x0;
	s5 =	sld [smem:$0x3FB3]  }
0x2b: {  	s6 =	sld [smem:$0x3FB4]  }
0x2c: {  	s7 =	sld [smem:$0x3FB5]  }
0x2d: {  	s3 =	simm.s32 $0x108;
	s8 =	sld [smem:$0x3FB6]  }
0x2e: {  	s3 =	simm.s32 @!p0 $0x1082;
	s9 =	sld [smem:$0x3FB7]  }
0x2f: {  	lr =	sadd.s32 s0, s3;
	s0 =	sld [smem:$0x3FAE]  }
0x30: {  	s3 =	sld [smem:$0x3FB1]  }
0x31: {  	[smem:$0x3FBA] =	sst s10  }
0x32: {  	s10 =	sld [smem:$0x3FB8];
	_ =	sdelay $0x3  }
0x33: {  	p0 =	seq.s32 s10, $0x1;
	s10 =	sld [smem:$0x3FBA];
	_ =	sdelay $0x3  }
0x34: {  	[smem:$0x3FBA] =	sst s10  }
0x35: {  	s10 =	sld [smem:$0x3FB9];
	_ =	sdelay $0x3  }
0x36: {  	p1 =	seq.s32 s10, $0x1;
	s10 =	sld [smem:$0x3FBA];
	_ =	sdelay $0x3  }
0x37: {  	[smem:$0x3FBA] =	sst s10  }
0x38: {  	s10 =	sld [smem:$0x3FBB]  }
0x39: {  	_ = 	snop;
	(pc) =	sbr.ind lr, $3  }
0x3a: {  	_ = 	snop  }
0x3b: {  	_ = 	snop  }
0x3c: {  	p2 =	seq.s32 s10, $0x1;
	s10 =	sld [smem:$0x3FBA]  }
0x3d: {  	_ =	shalt  }
0x3e: {  	_ =	shalt  }
0x3f: {  	_ =	shalt  }
0x40: {  	_ =	shalt  }
0x41: {  	_ =	shalt  }
0x42: {  	_ =	shalt  }
0x43: {  	_ =	shalt  }
0x44: {  	_ =	shalt  }
0x45: {  	_ =	shalt  }
0x46: {  	_ =	shalt  }
0x47: {  	_ =	shalt  }
0x48: {  	_ =	shalt  }
0x49: {  	_ =	shalt  }
0x4a: {  	_ =	shalt  }
0x4b: {  	_ =	shalt  }
0x4c: {  	_ =	shalt  }
0x4d: {  	_ =	shalt  }
0x4e: {  	_ =	shalt  }
0x4f: {  	_ =	shalt  }
0x50: {  	_ =	shalt  }
0x51: {  	_ =	shalt  }
0x52: {  	_ =	shalt  }
0x53: {  	_ =	shalt  }
0x54: {  	_ =	shalt  }
0x55: {  	_ =	shalt  }
0x56: {  	_ =	shalt  }
0x57: {  	_ =	shalt  }
0x58: {  	_ =	shalt  }
0x59: {  	_ =	shalt  }
0x5a: {  	_ =	shalt  }
0x5b: {  	_ =	shalt  }
0x5c: {  	_ =	shalt  }
0x5d: {  	_ =	shalt  }
0x5e: {  	_ =	shalt  }
0x5f: {  	_ =	shalt  }
0x60: {  	_ =	shalt  }
0x61: {  	_ =	shalt  }
0x62: {  	_ =	shalt  }
0x63: {  	_ =	shalt  }
0x64: {  	_ =	shalt  }
0x65: {  	_ =	shalt  }
0x66: {  	_ =	shalt  }
0x67: {  	_ =	shalt  }
0x68: {  	_ =	shalt  }
0x69: {  	_ =	shalt  }
0x6a: {  	_ =	shalt  }
0x6b: {  	_ =	shalt  }
0x6c: {  	_ =	shalt  }
0x6d: {  	_ =	shalt  }
0x6e: {  	_ =	shalt  }
0x6f: {  	_ =	shalt  }
0x70: {  	_ =	shalt  }
0x71: {  	_ =	shalt  }
0x72: {  	_ =	shalt  }
0x73: {  	_ =	shalt  }
0x74: {  	_ =	shalt  }
0x75: {  	_ =	shalt  }
0x76: {  	_ =	shalt  }
0x77: {  	_ =	shalt  }
0x78: {  	_ =	shalt  }
0x79: {  	_ =	shalt  }
0x7a: {  	_ =	shalt  }
0x7b: {  	_ =	shalt  }
0x7c: {  	_ =	shalt  }
0x7d: {  	_ =	shalt  }
0x7e: {  	_ =	shalt  }
0x7f: {  	_ =	shalt  }
0x80: {  	_ =	shalt  }
0x81: {  	_ =	shalt  }
0x82: {  	_ =	shalt  }
0x83: {  	_ =	shalt  }
0x84: {  	_ =	shalt  }
0x85: {  	_ =	shalt  }
0x86: {  	_ =	shalt  }
0x87: {  	_ =	shalt  }
.Lfunc_end0:
.L_simem_size_0:
called_computation_lowered:
.L_overlay_start_0:
0x88: {  	s2 =	sld [smem:$0x3FD9]  }
0x89: {  	s3 =	sld [smem:$0x3FFE];
	_ =	sdelay $0x1  }
0x8a: {  	s1 =	srdreg.scid  }
0x8b: {  	s0 =	sand.u32 $0x1, s1  }
0x8c: {  	s14 =	sshll.u32 s0, $0xA;
	s2 =	sadd.s32 s3, s2  }
0x8d: {  	s2 =	sadd.s32 s2, s14  }
0x8e: {  	[smem:$0x3FC6] =	sst s2  }
0x8f: {  	_ = 	snop  }
0x90: {  	s2 =	sld [smem:$0x3FD0];
	_ =	sdelay $0x2  }
0x91: {  	s4 =	simm.s32 $0xA;
	s5 =	simm.s32 $0x10;
	s15 =	sld [smem:$0x3FC8]  }
0x92: {  	[smem:s5], [sflag:s4] =	dma.local [hbm:s2], $0x1  }
0x93: {  	_ =	swait.eq [sflag:s4], $0x1  }
0x94: {  	[sflag:s4] =	ssyncset.done $0x0  }
0x95: {  	[sflag:s4] =	ssyncadd.s32 $0xFFFFFFFF  }
0x96: {  	s16 =	sld [smem:$0x11];
	(tm) =	ssettm $0x1  }
0x97: {  	s17 =	sld [smem:$0x3FFB];
	_ =	sdelay $0x3  }
0x98: {  	_ =	strace s17  }
0x99: {  	s4 =	sld [smem:$0x3FFC];
	_ =	sdelay $0x3  }
0x9a: {  	_ =	strace s4  }
0x9b: {  	s4 =	sld [smem:$0x3FFD];
	_ =	sdelay $0x3  }
0x9c: {  	_ =	strace s4  }
0x9d: {  	_ =	strace $0x8FFFFFFF  }
0x9e: {  	s18 =	sld [smem:$0x3FDB];
	_ =	sdelay $0x1  }
0x9f: {  	s19 =	simm.s32 $_scs_section_size  }
0xa0: {  	s6 =	simm.s32 $_size__tile_overlayer_lowered;
	s7 =	simm.s32 $_tile_overlayer_lowered  }
0xa1: {  	s22 =	simm.s32 $0x1BFF;
	s21 =	sshll.u32 s7, $0x1;
	s4 =	sadd.s32 s19, s18  }
0xa2: {  	s8 =	simm.s32 $0x0;
	s20 =	sshll.u32 s6, $0x1;
	s6 =	sadd.s32 s21, s4  }
0xa3: {  	[timem:s8], [sflag:s22] =	dma.local [hbm:s6], s20  }
0xa4: {  	_ =	swait.ge [sflag:s22], s20  }
0xa5: {  	s5 =	ssub.s32 $0x0, s20;
	[sflag:s22] =	ssyncset.done $0x0  }
0xa6: {  	[sflag:s22] =	ssyncadd.s32 s5;
	_ =	sdelay $0x1  }
0xa7: {  	s23 =	simm.s32 $0x1B8B  }
0xa8: {  	_ =	swait.ge [sflag:s23], $0x1  }
0xa9: {  	[sflag:s23] =	ssyncset.done $0x0  }
0xaa: {  	s25 =	simm.s32 $0x1B8E;
	s24 =	sld [smem:$0x3FFE];
	[sflag:s23] =	ssyncadd.s32 $0xFFFFFFFF  }
0xab: {  	s26 =	simm.s32 $execute0_lowered;
	[smem:$0x3FD2] =	sst s25  }
0xac: {  	s6 =	sshll.u32 s26, $0x1;
	_ =	strace $0x80000046;
	[dreg:$0x1] =	wrdreg $0xFFFFFFFF  }
0xad: {  	s28 =	simm.s32 $_size_execute0_lowered;
	s4 =	sadd.s32 s4, s6;
	[dreg:$0x0] =	wrdreg $0x0  }
0xae: {  	s6 =	sshll.u32 s28, $0x1;
	[dreg:$0x2] =	wrdreg s4  }
0xaf: {  	[dreg:$0x3] =	wrdreg s6  }
0xb0: {  	[dreg:$0x4] =	wrdreg $0xC0  }
0xb1: {  	_ =	task [dreg:s8], $0x5FFFF  }
0xb2: {  	[dreg:$0x1] =	wrdreg $0xFFFFFFFF  }
0xb3: {  	[dreg:$0x0] =	wrdreg $0x60  }
0xb4: {  	[dreg:$0x2] =	wrdreg s15  }
0xb5: {  	[dreg:$0x3] =	wrdreg s16  }
0xb6: {  	[dreg:$0x4] =	wrdreg s24  }
0xb7: {  	[dreg:$0x5] =	wrdreg $0x9  }
0xb8: {  	_ =	task.clear_ibuf [dreg:s8], $0x6FFFF;
	_ =	strace $0x90000046  }
0xb9: {  	s29 =	simm.s32 $0x9;
	_ =	strace $0x80000048  }
0xba: {  	_ =	swait.ge [sflag:s29], $0x1  }
0xbb: {  	[sflag:s29] =	ssyncadd.s32 $0xFFFFFFFF  }
0xbc: {  	_ =	strace $0x90000048  }
0xbd: {  	_ =	sfence  }
0xbe: {  	s30 =	sld [smem:$0x0];
	_ =	sdelay $0x2  }
0xbf: {  	s31 =	sshll.u32 s1, $0xD;
	s1 =	sshrl.u32 s1, $0x2  }
0xc0: {  	s3 =	sand.u32 $0x4000, s31;
	s1 =	sadd.s32 s1, s30  }
0xc1: {  	s0 =	sor.u32 s3, s0;
	s1 =	sshll.u32 s1, $0x11  }
0xc2: {  	s0 =	sor.u32 s1, s0  }
0xc3: {  	s0 =	sadd.s32 $0x8F2B, s0  }
0xc4: {  	[sflag:s0] =	ssyncadd.remote.s32 $0x1  }
0xc5: {  	_ =	sfence.sel $0xFFFF  }
0xc6: {  	[dreg:$0x0] =	wrdreg $0xFFFFFFFF;
	(pc) =	sbr.abs _section_cstart, $3  }
0xc7: {  	[dreg:$0x1] =	wrdreg $0xFFFFFFFF  }
0xc8: {  	_ =	task.clear_ibuf [dreg:s8], $0x2FFFF;
	_ =	strace $0x9FFFFFFF  }
0xc9: {  	(tm) =	ssettm $0x7FFFFFFF  }
tec
execute0_lowered:
.L_overlay_start_1:
0x0: {  	(tag) =	ssettag $0x1  }
0x1: {  	s1 =	rddreg [dreg:$0x0]  }
0x2: {  	s4 =	rddreg [dreg:$0x1]  }
0x3: {  	s5 =	rddreg [dreg:$0x2]  }
0x4: {  	s0 =	rddreg [dreg:$0x3];
	s6 =	srdreg.scid  }
0x5: {  	s3 =	simm.s32 $0x0;
	s2 =	stileid.u32;
	s10 =	simm.s32 $0x1080  }
0x6: {  	s11 =	simm.s32 $0x1880;
	s12 =	simm.s32 $0x2080;
	s13 =	simm.s32 $0x2880  }
0x7: {  	s14 =	simm.s32 $0x3080;
	s15 =	simm.s32 $0x3880;
	s6 =	sand.u32 $0x1, s6  }
0x8: {  	s16 =	simm.s32 $0x1;
	s7 =	sshll.u32 s2, $0x7;
	s8 =	sshll.u32 s6, $0x6  }
0x9: {  	[smem:$0x7FF] =	sst s3;
	s6 =	ssub.s32 $0x2, s6;
	s7 =	sor.u32 s8, s7  }
0xa: {  	_ =	strace $0x80000047;
	s9 =	sshrl.u32 s6, $0x1;
	s8 =	sshll.u32 s7, $0x5  }
0xb: {  	v2 =	vlaneseq.u32;
	s7 =	sshrl.u32 s7, $0x3;
	s6 =	ssub.s32 s6, s9;
	s9 =	simm.s32 $0x880  }
0xc: {  	vm0 =	vmmov $0xffff;
	v1 =	vshrl.u32 v2, $0x3;
	s5 =	sadd.s32 s8, s5;
	s4 =	sadd.s32 s4, s7;
	s6 =	smax.u32 s6, $0x1  }
0xd: {  	v0 =	vand.u32 $0x7, v2;
	v2 =	vor.u32 $0x8, v2;
	v1 =	vmul.u32 $0x8, v1;
	s7 =	simm.s32 $0x2;
	s8 =	simm.s32 $0x80;
	s5 =	sadd.s32 $0x600, s5  }
.LBB2_1:
0xe: {  	[tilespmem:s3], [sflag:$0x2] =	stream.linear.gather [hbm4b:s4+s3], $0x40, $0x38;
	[tilespmem:$0x4080] =	vst v63  }
0xf: {  	_ =	swait.ge [sflag:s7], $0x40  }
0x10: {  	[sflag:s7] =	ssyncset.done $0x0  }
0x11: {  	[sflag:s7] =	ssyncadd.s32 $0xFFFFFFC0  }
0x12: {  	v3 =	vld [tilespmem:$0x0];
	_ =	sdelay $0x4  }
0x13: {  	v4 =	vshll.u32 v3, $0x1  }
0x14: {  	v3 =	vand.u32 $0x7, v3;
	v4 =	vand.u32 $0xFFFFFFF0, v4  }
0x15: {  	v3 =	vor.u32 v3, v4  }
0x16: {  	v4 =	vperm.xlane v3, v0;
	_ =	sdelay $0x1  }
0x17: {  	v3 =	vperm.xlane v3, v2;
	v4 =	vadd.s32 v1, v4;
	_ =	sdelay $0x1  }
0x18: {  	v3 =	vadd.s32 v1, v3;
	_ =	sdelay $0x2  }
0x19: {  	[tilespmem:s8], [sflag:$0x1] =	stream.indirect_vreg.gather [hbm4b:s1+s3], $0x80, v4, vm0, $0xb8;
	[tilespmem:$0x4080] =	vst v63  }
0x1a: {  	_ = 	snop  }
0x1b: {  	[tilespmem:s9], [sflag:$0x1] =	stream.indirect_vreg.gather [hbm4b:s1+s3], $0x80, v3, vm0, $0xb8;
	[tilespmem:$0x4080] =	vst v63  }
0x1c: {  	v3 =	vld [tilespmem:$0x10];
	_ =	sdelay $0x4  }
0x1d: {  	v61 =	vshll.u32 v3, $0x1  }
0x1e: {  	v3 =	vand.u32 $0x7, v3;
	v4 =	vand.u32 $0xFFFFFFF0, v61  }
0x1f: {  	v3 =	vor.u32 v3, v4  }
0x20: {  	v4 =	vperm.xlane v3, v0;
	_ =	sdelay $0x1  }
0x21: {  	v3 =	vperm.xlane v3, v2;
	v4 =	vadd.s32 v1, v4;
	_ =	sdelay $0x1  }
0x22: {  	v3 =	vadd.s32 v1, v3;
	_ =	sdelay $0x2  }
0x23: {  	[tilespmem:s10], [sflag:$0x1] =	stream.indirect_vreg.gather [hbm4b:s1+s3], $0x80, v4, vm0, $0xb8;
	[tilespmem:$0x4080] =	vst v63  }
0x24: {  	_ = 	snop  }
0x25: {  	[tilespmem:s11], [sflag:$0x1] =	stream.indirect_vreg.gather [hbm4b:s1+s3], $0x80, v3, vm0, $0xb8;
	[tilespmem:$0x4080] =	vst v63  }
0x26: {  	v3 =	vld [tilespmem:$0x20];
	_ =	sdelay $0x4  }
0x27: {  	v62 =	vshll.u32 v3, $0x1  }
0x28: {  	v3 =	vand.u32 $0x7, v3;
	v4 =	vand.u32 $0xFFFFFFF0, v62  }
0x29: {  	v3 =	vor.u32 v3, v4  }
0x2a: {  	v4 =	vperm.xlane v3, v0;
	_ =	sdelay $0x1  }
0x2b: {  	v3 =	vperm.xlane v3, v2;
	v4 =	vadd.s32 v1, v4;
	_ =	sdelay $0x1  }
0x2c: {  	v3 =	vadd.s32 v1, v3;
	_ =	sdelay $0x2  }
0x2d: {  	[tilespmem:s12], [sflag:$0x1] =	stream.indirect_vreg.gather [hbm4b:s1+s3], $0x80, v4, vm0, $0xb8;
	[tilespmem:$0x4080] =	vst v63  }
0x2e: {  	_ = 	snop  }
0x2f: {  	[tilespmem:s13], [sflag:$0x1] =	stream.indirect_vreg.gather [hbm4b:s1+s3], $0x80, v3, vm0, $0xb8;
	[tilespmem:$0x4080] =	vst v63  }
0x30: {  	v3 =	vld [tilespmem:$0x30];
	_ =	sdelay $0x4  }
0x31: {  	v63 =	vshll.u32 v3, $0x1  }
0x32: {  	v3 =	vand.u32 $0x7, v3;
	v4 =	vand.u32 $0xFFFFFFF0, v63  }
0x33: {  	v3 =	vor.u32 v3, v4  }
0x34: {  	v4 =	vperm.xlane v3, v0;
	_ =	sdelay $0x1  }
0x35: {  	v3 =	vperm.xlane v3, v2;
	v4 =	vadd.s32 v1, v4;
	_ =	sdelay $0x1  }
0x36: {  	v3 =	vadd.s32 v1, v3;
	_ =	sdelay $0x2  }
0x37: {  	[tilespmem:s14], [sflag:$0x1] =	stream.indirect_vreg.gather [hbm4b:s1+s3], $0x80, v4, vm0, $0xb8;
	[tilespmem:$0x4080] =	vst v63  }
0x38: {  	_ = 	snop  }
0x39: {  	[tilespmem:s15], [sflag:$0x1] =	stream.indirect_vreg.gather [hbm4b:s1+s3], $0x80, v3, vm0, $0xb8;
	[tilespmem:$0x4080] =	vst v63  }
0x3a: {  	_ =	swait.ge [sflag:s16], $0x4000  }
0x3b: {  	p0 =	sne.s32 s6, $0x1;
	[sflag:s16] =	ssyncset.done $0x0  }
.Ltmp0:
0x3c: {  	[sflag:s16] =	ssyncadd.s32 $0xFFFFC000;
	(pc) =	sbr.rel @p0 .LBB2_1-.Ltmp0, $4  }
0x3d: {  	[hbm4b:s5+s3] =	stream.linear.scatter [tilespmem:s8], [sflag:$0x2], $0x4000, $0x38;
	[tilespmem:$0x4080] =	vst v63  }
0x3e: {  	_ =	swait.ge [sflag:s7], $0x4000  }
0x3f: {  	[sflag:s7] =	ssyncset.done $0x0  }
0x40: {  	s6 =	sadd.s32 $0xFFFFFFFF, s6;
	[sflag:s7] =	ssyncadd.s32 $0xFFFFC000  }
0x41: {  	_ =	sfence.sel $0x180000  }
0x42: {  	[bflag:$0x0] =	sbarrier.arrive $0xFFFF  }
0x43: {  	p0 =	sne.s32 s2, $0x0;
	_ =	strace $0x90000047  }
0x44: {  	s0 =	sadd.s32 @!p0 $0x100000, s0;
	[bflag:$0x2] =	sbarrier.arrive $0xFFFF  }
0x45: {  	[sflag:s0] =	ssyncadd.tile.s32 @!p0 $0x1;
	_ =	shalt  }
.Lfunc_end2:
_tile_overlayer_lowered:
.L_overlay_start_2:
0x46: {  	(tag) =	ssettag $0x2  }
0x47: {  	s0 =	rddreg [dreg:$0x0];
	s2 =	stileid.u32  }
0x48: {  	s1 =	rddreg [dreg:$0x1];
	p0 =	sne.s32 s2, $0x0  }
0x49: {  	s3 =	rddreg [dreg:$0x2];
	[bflag:$0x3] =	sbarrier.arrive $0xFFFF;
	s2 =	simm.s32 @!p0 $0x1C02  }
0x4a: {  	[timem:s3], [sflag:s2] =	dma.local @!p0 [hbm:s0], s1  }
0x4b: {  	s0 =	simm.s32 @!p0 $0x2  }
0x4c: {  	_ =	swait.ge @!p0 [sflag:s0], s1  }
0x4d: {  	s1 =	ssub.s32 @!p0 $0x0, s1;
	[sflag:s0] =	ssyncset.done @!p0 $0x0  }
0x4e: {  	[sflag:s0] =	ssyncadd.s32 @!p0 s1  }
0x4f: {  	[bflag:$0x3] =	sbarrier.arrive $0xFFFF  }
0x50: {  	_ =	shalt  }

</sc_bundles>
